<compile_context>
chip_gen: v7x
topology: tpu7x:2x2x1
jax: 0.10.2.dev20260603
libtpu: 0.0.44.dev20260713+nightly
codegen_flags: <defaults>
</compile_context>

<pallas_src>
import jax
import jax.numpy as jnp
from jax.experimental import pallas as pl
from jax.experimental.pallas import tpu as pltpu


def _gumbel_rows_kernel(n, rblk, tref, adjref, u0ref, u1ref, yref):
    pid = pl.program_id(0)
    inv_t = 1.0 / tref[0]
    p = adjref[...]
    w0 = u0ref[...]
    w1 = u1ref[...]
    eps = 1e-20
    g0 = -jnp.log(-jnp.log(w0 + eps) + eps)
    g1 = -jnp.log(-jnp.log(w1 + eps) + eps)
    a0 = p + g0
    a1 = jnp.abs(1.0 - p) + g1
    y = 1.0 / (1.0 + jnp.exp((a1 - a0) * inv_t))
    cols = jax.lax.broadcasted_iota(jnp.int32, (rblk, n), 1)
    rows = pid * rblk + jax.lax.broadcasted_iota(jnp.int32, (rblk, n), 0)
    yref[...] = jnp.where(cols > rows, y, jnp.where(cols == rows, 1.0, 0.0))


def _symmetrize_kernel(bb, aref, bref, oref):
    bi = pl.program_id(0)
    bj = pl.program_id(1)
    rows = bi * bb + jax.lax.broadcasted_iota(jnp.int32, (bb, bb), 0)
    cols = bj * bb + jax.lax.broadcasted_iota(jnp.int32, (bb, bb), 1)
    diag = jnp.where(rows == cols, 1.0, 0.0)
    oref[...] = aref[...] + bref[...].T - diag


def kernel(adj, temperature, u):
    n = adj.shape[0]
    rblk = 8 if n % 8 == 0 else 1
    bb = 512 if n % 512 == 0 else n

    t = jnp.asarray(temperature, jnp.float32).reshape(1)

    i_idx, j_idx = jnp.triu_indices(n, k=1)
    u0d = jnp.zeros((n, n), jnp.float32).at[i_idx, j_idx].set(u[:, 0])
    u1d = jnp.zeros((n, n), jnp.float32).at[i_idx, j_idx].set(u[:, 1])

    grid_a = n // rblk
    upper = pl.pallas_call(
        lambda *refs: _gumbel_rows_kernel(n, rblk, *refs),
        grid=(grid_a,),
        in_specs=[
            pl.BlockSpec(memory_space=pltpu.SMEM),
            pl.BlockSpec((rblk, n), lambda p: (p, 0)),
            pl.BlockSpec((rblk, n), lambda p: (p, 0)),
            pl.BlockSpec((rblk, n), lambda p: (p, 0)),
        ],
        out_specs=pl.BlockSpec((rblk, n), lambda p: (p, 0)),
        out_shape=jax.ShapeDtypeStruct((n, n), jnp.float32),
    )(t, adj, u0d, u1d)

    nb = n // bb
    out = pl.pallas_call(
        lambda *refs: _symmetrize_kernel(bb, *refs),
        grid=(nb, nb),
        in_specs=[
            pl.BlockSpec((bb, bb), lambda i, j: (i, j)),
            pl.BlockSpec((bb, bb), lambda i, j: (j, i)),
        ],
        out_specs=pl.BlockSpec((bb, bb), lambda i, j: (i, j)),
        out_shape=jax.ShapeDtypeStruct((n, n), jnp.float32),
    )(upper, upper)
    return out

# --- scband reference (transcript-rebuilt; emitter-appended) ---
"""Pipeline reference for scband-gumbel-47717086658794 (READ-ONLY COPY).

The authoritative reference and input builder live on the scoring server;
editing this copy changes nothing except your own understanding.
"""

import jax, jax.numpy as jnp
import numpy as np

N = 4096

def setup_inputs(seed: int = 0) -> dict:
    key = jax.random.key(seed)
    k1, k2 = jax.random.split(key)
    adj = jax.random.uniform(k1, (N, N), dtype=jnp.float32)
    M = N * (N - 1) // 2
    u = jax.random.uniform(k2, (M, 2), dtype=jnp.float32)
    return {"adj": adj, "temperature": 1, "u": u}

def reference(adj, temperature, u):
    n = adj.shape[0]
    i, j = jnp.triu_indices(n, k=1)
    # prob_ex = adj[i, j]  (gather of upper-triangular entries)
    prob_ex = adj[i, j]
    prob_unex = jnp.abs(1.0 - prob_ex)
    logits = jnp.stack((prob_ex, prob_unex), axis=1)
    eps = 1e-20
    gumbel = -jnp.log(-jnp.log(u + eps) + eps)
    y = jax.nn.softmax((logits + gumbel) / jnp.asarray(temperature).astype(jnp.float32), axis=1)
    # hard=False branch: scatter y[:,0] symmetrically
    out = jnp.zeros((n, n), dtype=jnp.float32)
    out = out.at[i, j].set(y[:, 0])
    out = out.at[j, i].set(y[:, 0])
    out = out + jnp.eye(n, dtype=jnp.float32)
    return out

if __name__ == "__main__":
    import jax
    _d = setup_inputs()
    print(jax.jit(kernel)(*tuple(_d.values())))

</pallas_src>

<mosaic_0001>
module attributes {stable_mosaic.version = 14 : i64} {
  func.func @_lambda_(%arg0: i32, %arg1: memref<1xf32, #tpu.memory_space<smem>>, %arg2: memref<8x4096xf32, #tpu.memory_space<vmem>>, %arg3: memref<8x4096xf32, #tpu.memory_space<vmem>>, %arg4: memref<8x4096xf32, #tpu.memory_space<vmem>>, %arg5: memref<8x4096xf32, #tpu.memory_space<vmem>>) attributes {dimension_semantics = [#tpu.dimension_semantics<arbitrary>], iteration_bounds = array<i64: 512>, scalar_prefetch = 0 : i64, scratch_operands = 0 : i64, tpu.core_type = #tpu.core_type<tc>, window_params = [{transform_indices = @transform_0, window_bounds = array<i64: 1>}, {transform_indices = @transform_1, window_bounds = array<i64: 8, 4096>}, {transform_indices = @transform_2, window_bounds = array<i64: 8, 4096>}, {transform_indices = @transform_3, window_bounds = array<i64: 8, 4096>}, {transform_indices = @transform_4, window_bounds = array<i64: 8, 4096>}]} {
    %get3A = arith.constant 0 : index
    %get3A_0 = memref.load %arg1[%get3A] : memref<1xf32, #tpu.memory_space<smem>>
    %div3A = arith.constant 1.000000e+00 : f32
    %div3A_1 = arith.divf %div3A, %get3A_0 : f32
    %get3A_2 = arith.constant 0 : index
    %get3A_3 = arith.constant 0 : index
    %get3A_4 = vector.load %arg2[%get3A_2, %get3A_3] : memref<8x4096xf32, #tpu.memory_space<vmem>>, vector<8x4096xf32>
    %get3A_5 = arith.constant 0 : index
    %get3A_6 = arith.constant 0 : index
    %get3A_7 = vector.load %arg3[%get3A_5, %get3A_6] : memref<8x4096xf32, #tpu.memory_space<vmem>>, vector<8x4096xf32>
    %get3A_8 = arith.constant 0 : index
    %get3A_9 = arith.constant 0 : index
    %get3A_10 = vector.load %arg4[%get3A_8, %get3A_9] : memref<8x4096xf32, #tpu.memory_space<vmem>>, vector<8x4096xf32>
    %add3A = arith.constant 9.99999968E-21 : f32
    %add3A_11 = vector.broadcast %add3A : f32 to vector<8x4096xf32>
    %add3A_12 = arith.addf %get3A_7, %add3A_11 : vector<8x4096xf32>
    %log3A = math.log %add3A_12 : vector<8x4096xf32>
    %neg3A = arith.constant 0.000000e+00 : f32
    %neg3A_13 = vector.broadcast %neg3A : f32 to vector<8x4096xf32>
    %neg3A_14 = arith.subf %neg3A_13, %log3A : vector<8x4096xf32>
    %add3A_15 = arith.constant 9.99999968E-21 : f32
    %add3A_16 = vector.broadcast %add3A_15 : f32 to vector<8x4096xf32>
    %add3A_17 = arith.addf %neg3A_14, %add3A_16 : vector<8x4096xf32>
    %log3A_18 = math.log %add3A_17 : vector<8x4096xf32>
    %neg3A_19 = arith.constant 0.000000e+00 : f32
    %neg3A_20 = vector.broadcast %neg3A_19 : f32 to vector<8x4096xf32>
    %neg3A_21 = arith.subf %neg3A_20, %log3A_18 : vector<8x4096xf32>
    %add3A_22 = arith.constant 9.99999968E-21 : f32
    %add3A_23 = vector.broadcast %add3A_22 : f32 to vector<8x4096xf32>
    %add3A_24 = arith.addf %get3A_10, %add3A_23 : vector<8x4096xf32>
    %log3A_25 = math.log %add3A_24 : vector<8x4096xf32>
    %neg3A_26 = arith.constant 0.000000e+00 : f32
    %neg3A_27 = vector.broadcast %neg3A_26 : f32 to vector<8x4096xf32>
    %neg3A_28 = arith.subf %neg3A_27, %log3A_25 : vector<8x4096xf32>
    %add3A_29 = arith.constant 9.99999968E-21 : f32
    %add3A_30 = vector.broadcast %add3A_29 : f32 to vector<8x4096xf32>
    %add3A_31 = arith.addf %neg3A_28, %add3A_30 : vector<8x4096xf32>
    %log3A_32 = math.log %add3A_31 : vector<8x4096xf32>
    %neg3A_33 = arith.constant 0.000000e+00 : f32
    %neg3A_34 = vector.broadcast %neg3A_33 : f32 to vector<8x4096xf32>
    %neg3A_35 = arith.subf %neg3A_34, %log3A_32 : vector<8x4096xf32>
    %add3A_36 = arith.addf %get3A_4, %neg3A_21 : vector<8x4096xf32>
    %sub3A = arith.constant 1.000000e+00 : f32
    %sub3A_37 = vector.broadcast %sub3A : f32 to vector<8x4096xf32>
    %sub3A_38 = arith.subf %sub3A_37, %get3A_4 : vector<8x4096xf32>
    %abs3A = math.absf %sub3A_38 : vector<8x4096xf32>
    %add3A_39 = arith.addf %abs3A, %neg3A_35 : vector<8x4096xf32>
    %sub3A_40 = arith.subf %add3A_39, %add3A_36 : vector<8x4096xf32>
    %mul3A = vector.broadcast %div3A_1 : f32 to vector<8x4096xf32>
    %mul3A_41 = arith.mulf %sub3A_40, %mul3A : vector<8x4096xf32>
    %exp3A = math.exp %mul3A_41 : vector<8x4096xf32>
    %add3A_42 = arith.constant 1.000000e+00 : f32
    %add3A_43 = vector.broadcast %add3A_42 : f32 to vector<8x4096xf32>
    %add3A_44 = arith.addf %add3A_43, %exp3A : vector<8x4096xf32>
    %div3A_45 = arith.constant 1.000000e+00 : f32
    %div3A_46 = vector.broadcast %div3A_45 : f32 to vector<8x4096xf32>
    %div3A_47 = arith.divf %div3A_46, %add3A_44 : vector<8x4096xf32>
    %iota3A = tpu.iota {dimensions = array<i32: 1>} : vector<8x4096xi32>
    %mul3A_48 = arith.constant 8 : i32
    %mul3A_49 = arith.muli %arg0, %mul3A_48 : i32
    %iota3A_50 = tpu.iota {dimensions = array<i32: 0>} : vector<8x4096xi32>
    %add3A_51 = vector.broadcast %mul3A_49 : i32 to vector<8x4096xi32>
    %add3A_52 = arith.addi %add3A_51, %iota3A_50 : vector<8x4096xi32>
    %gt3A = arith.cmpi sgt, %iota3A, %add3A_52 : vector<8x4096xi32>
    %eq3A = arith.cmpi eq, %iota3A, %add3A_52 : vector<8x4096xi32>
    %jit3A = arith.constant 1.000000e+00 : f32
    %jit3A_53 = arith.constant 0.000000e+00 : f32
    %broadcast_in_dim3A = vector.broadcast %jit3A : f32 to vector<8x4096xf32>
    %broadcast_in_dim3A_54 = vector.broadcast %jit3A_53 : f32 to vector<8x4096xf32>
    %select_n3A = arith.select %eq3A, %broadcast_in_dim3A, %broadcast_in_dim3A_54 : vector<8x4096xi1>, vector<8x4096xf32>
    %select_n3A_55 = arith.select %gt3A, %div3A_47, %select_n3A : vector<8x4096xi1>, vector<8x4096xf32>
    %swap3A = arith.constant 0 : index
    %swap3A_56 = arith.constant 0 : index
    %swap3A_57 = vector.load %arg5[%swap3A, %swap3A_56] : memref<8x4096xf32, #tpu.memory_space<vmem>>, vector<8x4096xf32>
    tpu.vector_store %arg5[%swap3A, %swap3A_56], %select_n3A_55 {strides = array<i32>} : memref<8x4096xf32, #tpu.memory_space<vmem>>, vector<8x4096xf32>,
    return
  }
  func.func @transform_0(%arg0: i32) -> i32 {
    %c0_i32 = arith.constant 0 : i32
    %c0_i32_0 = arith.constant 0 : i32
    return %c0_i32 : i32
  }
  func.func @transform_1(%arg0: i32) -> (i32, i32) {
    %c0_i32 = arith.constant 0 : i32
    %c0_i32_0 = arith.constant 0 : i32
    return %arg0, %c0_i32 : i32, i32
  }
  func.func @transform_2(%arg0: i32) -> (i32, i32) {
    %c0_i32 = arith.constant 0 : i32
    %c0_i32_0 = arith.constant 0 : i32
    return %arg0, %c0_i32 : i32, i32
  }
  func.func @transform_3(%arg0: i32) -> (i32, i32) {
    %c0_i32 = arith.constant 0 : i32
    %c0_i32_0 = arith.constant 0 : i32
    return %arg0, %c0_i32 : i32, i32
  }
  func.func @transform_4(%arg0: i32) -> (i32, i32) {
    %c0_i32 = arith.constant 0 : i32
    %c0_i32_0 = arith.constant 0 : i32
    return %arg0, %c0_i32 : i32, i32
  }
}

module attributes {stable_mosaic.version = 14 : i64} {
  func.func @_lambda_(%arg0: i32, %arg1: i32, %arg2: memref<512x512xf32, #tpu.memory_space<vmem>>, %arg3: memref<512x512xf32, #tpu.memory_space<vmem>>, %arg4: memref<512x512xf32, #tpu.memory_space<vmem>>) attributes {dimension_semantics = [#tpu.dimension_semantics<arbitrary>, #tpu.dimension_semantics<arbitrary>], iteration_bounds = array<i64: 8, 8>, scalar_prefetch = 0 : i64, scratch_operands = 0 : i64, tpu.core_type = #tpu.core_type<tc>, window_params = [{transform_indices = @transform_0, window_bounds = array<i64: 512, 512>}, {transform_indices = @transform_1, window_bounds = array<i64: 512, 512>}, {transform_indices = @transform_2, window_bounds = array<i64: 512, 512>}]} {
    %mul3A = arith.constant 512 : i32
    %mul3A_0 = arith.muli %arg0, %mul3A : i32
    %iota3A = tpu.iota {dimensions = array<i32: 0>} : vector<512x512xi32>
    %add3A = vector.broadcast %mul3A_0 : i32 to vector<512x512xi32>
    %add3A_1 = arith.addi %add3A, %iota3A : vector<512x512xi32>
    %mul3A_2 = arith.constant 512 : i32
    %mul3A_3 = arith.muli %arg1, %mul3A_2 : i32
    %iota3A_4 = tpu.iota {dimensions = array<i32: 1>} : vector<512x512xi32>
    %add3A_5 = vector.broadcast %mul3A_3 : i32 to vector<512x512xi32>
    %add3A_6 = arith.addi %add3A_5, %iota3A_4 : vector<512x512xi32>
    %eq3A = arith.cmpi eq, %add3A_1, %add3A_6 : vector<512x512xi32>
    %jit3A = arith.constant 1.000000e+00 : f32
    %jit3A_7 = arith.constant 0.000000e+00 : f32
    %broadcast_in_dim3A = vector.broadcast %jit3A : f32 to vector<512x512xf32>
    %broadcast_in_dim3A_8 = vector.broadcast %jit3A_7 : f32 to vector<512x512xf32>
    %select_n3A = arith.select %eq3A, %broadcast_in_dim3A, %broadcast_in_dim3A_8 : vector<512x512xi1>, vector<512x512xf32>
    %get3A = arith.constant 0 : index
    %get3A_9 = arith.constant 0 : index
    %get3A_10 = vector.load %arg2[%get3A, %get3A_9] : memref<512x512xf32, #tpu.memory_space<vmem>>, vector<512x512xf32>
    %get3A_11 = arith.constant 0 : index
    %get3A_12 = arith.constant 0 : index
    %get3A_13 = vector.load %arg3[%get3A_11, %get3A_12] : memref<512x512xf32, #tpu.memory_space<vmem>>, vector<512x512xf32>
    %transpose3A = tpu.transpose %get3A_13, [1, 0] : vector<512x512xf32> -> vector<512x512xf32>
    %add3A_14 = arith.addf %get3A_10, %transpose3A : vector<512x512xf32>
    %sub3A = arith.subf %add3A_14, %select_n3A : vector<512x512xf32>
    %swap3A = arith.constant 0 : index
    %swap3A_15 = arith.constant 0 : index
    %swap3A_16 = vector.load %arg4[%swap3A, %swap3A_15] : memref<512x512xf32, #tpu.memory_space<vmem>>, vector<512x512xf32>
    tpu.vector_store %arg4[%swap3A, %swap3A_15], %sub3A {strides = array<i32>} : memref<512x512xf32, #tpu.memory_space<vmem>>, vector<512x512xf32>,
    return
  }
  func.func @transform_0(%arg0: i32, %arg1: i32) -> (i32, i32) {
    %c0_i32 = arith.constant 0 : i32
    return %arg0, %arg1 : i32, i32
  }
  func.func @transform_1(%arg0: i32, %arg1: i32) -> (i32, i32) {
    %c0_i32 = arith.constant 0 : i32
    return %arg1, %arg0 : i32, i32
  }
  func.func @transform_2(%arg0: i32, %arg1: i32) -> (i32, i32) {
    %c0_i32 = arith.constant 0 : i32
    return %arg0, %arg1 : i32, i32
  }
}

</mosaic_0001>

<sc_bundles>
// kernel: scatter_offload_async_start
scs
__scs_entry_jumppad:
0x0: {  	(pc) =	sbr.rel $0x88, $3  }
0x1: {  	(tag) =	ssettag $0x0;
	lr =	simm.s32 $0x1  }
0x2: {  	[smem:$0x3F9E] =	sst lr;
	_ =	strace $0xD0000000  }
0x3: {  	_ = 	snop  }
0x4: {  	_ = 	snop  }
0x5: {  	_ = 	snop  }
0x6: {  	_ = 	snop  }
0x7: {  	_ = 	snop  }
__scs_overlays_trampoline_lowered:
0x8: {  	[smem:$0x3FAD] =	sst s0  }
0x9: {  	[smem:$0x3FAE] =	sst s1  }
0xa: {  	[smem:$0x3FAF] =	sst s2  }
0xb: {  	[smem:$0x3FB0] =	sst s3  }
0xc: {  	[smem:$0x3FB1] =	sst s4  }
0xd: {  	[smem:$0x3FB2] =	sst s5  }
0xe: {  	[smem:$0x3FB3] =	sst s6  }
0xf: {  	[smem:$0x3FB4] =	sst s7  }
0x10: {  	[smem:$0x3FB5] =	sst s8  }
0x11: {  	[smem:$0x3FB6] =	sst s9;
	s0 =	simm.s32 @!p0 $0x0  }
0x12: {  	s1 =	sld [smem:$0x3F9C];
	s0 =	simm.s32 @p0 $0x1  }
0x13: {  	[smem:$0x3FB7] =	sst s0;
	s0 =	simm.s32 @!p1 $0x0  }
0x14: {  	s2 =	sld [smem:$0x3F9B];
	s0 =	simm.s32 @p1 $0x1  }
0x15: {  	[smem:$0x3FB8] =	sst s0;
	s0 =	simm.s32 @!p2 $0x0  }
0x16: {  	s3 =	sld [smem:$0x3FDB];
	s0 =	simm.s32 @p2 $0x1  }
0x17: {  	s4 =	simm.s32 $0x1BF5;
	[smem:$0x3FBA] =	sst s0  }
0x18: {  	s0 =	sld [smem:$0x3F9D];
	_ =	swait.ge [sflag:s4], $0x0  }
0x19: {  	s7 =	sld [smem:$0x3F9E]  }
0x1a: {  	s8 =	sadd.s32 $0xFFFFE003, lr  }
0x1b: {  	s9 =	sadd.s32 $0xFFFFFEF7, lr;
	s5 =	simm.s32 $0xFFFFFFFF;
	p2 =	slt.u32 s8, $0xFFFFF086  }
0x1c: {  	p1 =	slt.u32 s9, $0xF7A;
	s5 =	simm.s32 @!p2 $0x0  }
0x1d: {  	s5 =	simm.s32 @p1 $0x1;
	p0 =	seq.s32 s7, s2  }
0x1e: {  	s7 =	smul.u32 @!p0 $0xF7A, s2;
	p2 =	seq.s32 @!p0 s5, $0x0  }
0x1f: {  	s9 =	smul.u32 $0xF7A, s1;
	s8 =	simm.s32 @!p0 $0x1BF5;
	p2 =	por !p2, p0  }
0x20: {  	[sflag:s8] =	ssyncset.s32 @!p0 $0xFFFFF086;
	s6 =	sadd.s32 @!p0 s3, s7;
	s7 =	simm.s32 @!p0 $0x108  }
0x21: {  	s3 =	sadd.s32 s3, s9;
	s6 =	sadd.s32 @!p0 $0x88, s6;
	s7 =	simm.s32 @p2 $0x1082  }
0x22: {  	[simem:s7], [sflag:s8] =	dma.local @!p0 [hbm:s6], $0xF7A  }
0x23: {  	s9 =	sor.u32 $0xD0000000, s2;
	s6 =	simm.s32 $0x108;
	_ =	swait.ge @!p0 [sflag:s8], $0x0  }
0x24: {  	s3 =	sadd.s32 $0x88, s3;
	s6 =	simm.s32 @!p1 $0x1082;
	[sflag:s4] =	ssyncset.s32 $0xFFFFF086  }
0x25: {  	[simem:s6], [sflag:s4] =	dma.local [hbm:s3], $0xF7A  }
0x26: {  	[smem:$0x3F9E] =	sst s1;
	(tag) =	ssettag s2;
	_ =	strace s9  }
0x27: {  	s1 =	sld [smem:$0x3FAE]  }
0x28: {  	s2 =	sld [smem:$0x3FAF]  }
0x29: {  	s4 =	sld [smem:$0x3FB1]  }
0x2a: {  	p0 =	seq.s32 s5, $0x0;
	s5 =	sld [smem:$0x3FB2]  }
0x2b: {  	s6 =	sld [smem:$0x3FB3]  }
0x2c: {  	s7 =	sld [smem:$0x3FB4]  }
0x2d: {  	s3 =	simm.s32 $0x108;
	s8 =	sld [smem:$0x3FB5]  }
0x2e: {  	s3 =	simm.s32 @!p0 $0x1082;
	s9 =	sld [smem:$0x3FB6]  }
0x2f: {  	lr =	sadd.s32 s0, s3;
	s0 =	sld [smem:$0x3FAD]  }
0x30: {  	s3 =	sld [smem:$0x3FB0]  }
0x31: {  	[smem:$0x3FB9] =	sst s10  }
0x32: {  	s10 =	sld [smem:$0x3FB7];
	_ =	sdelay $0x3  }
0x33: {  	p0 =	seq.s32 s10, $0x1;
	s10 =	sld [smem:$0x3FB9];
	_ =	sdelay $0x3  }
0x34: {  	[smem:$0x3FB9] =	sst s10  }
0x35: {  	s10 =	sld [smem:$0x3FB8];
	_ =	sdelay $0x3  }
0x36: {  	p1 =	seq.s32 s10, $0x1;
	s10 =	sld [smem:$0x3FB9];
	_ =	sdelay $0x3  }
0x37: {  	[smem:$0x3FB9] =	sst s10  }
0x38: {  	s10 =	sld [smem:$0x3FBA]  }
0x39: {  	_ = 	snop;
	(pc) =	sbr.ind lr, $3  }
0x3a: {  	_ = 	snop  }
0x3b: {  	_ = 	snop  }
0x3c: {  	p2 =	seq.s32 s10, $0x1;
	s10 =	sld [smem:$0x3FB9]  }
0x3d: {  	_ =	shalt  }
0x3e: {  	_ =	shalt  }
0x3f: {  	_ =	shalt  }
0x40: {  	_ =	shalt  }
0x41: {  	_ =	shalt  }
0x42: {  	_ =	shalt  }
0x43: {  	_ =	shalt  }
0x44: {  	_ =	shalt  }
0x45: {  	_ =	shalt  }
0x46: {  	_ =	shalt  }
0x47: {  	_ =	shalt  }
0x48: {  	_ =	shalt  }
0x49: {  	_ =	shalt  }
0x4a: {  	_ =	shalt  }
0x4b: {  	_ =	shalt  }
0x4c: {  	_ =	shalt  }
0x4d: {  	_ =	shalt  }
0x4e: {  	_ =	shalt  }
0x4f: {  	_ =	shalt  }
0x50: {  	_ =	shalt  }
0x51: {  	_ =	shalt  }
0x52: {  	_ =	shalt  }
0x53: {  	_ =	shalt  }
0x54: {  	_ =	shalt  }
0x55: {  	_ =	shalt  }
0x56: {  	_ =	shalt  }
0x57: {  	_ =	shalt  }
0x58: {  	_ =	shalt  }
0x59: {  	_ =	shalt  }
0x5a: {  	_ =	shalt  }
0x5b: {  	_ =	shalt  }
0x5c: {  	_ =	shalt  }
0x5d: {  	_ =	shalt  }
0x5e: {  	_ =	shalt  }
0x5f: {  	_ =	shalt  }
0x60: {  	_ =	shalt  }
0x61: {  	_ =	shalt  }
0x62: {  	_ =	shalt  }
0x63: {  	_ =	shalt  }
0x64: {  	_ =	shalt  }
0x65: {  	_ =	shalt  }
0x66: {  	_ =	shalt  }
0x67: {  	_ =	shalt  }
0x68: {  	_ =	shalt  }
0x69: {  	_ =	shalt  }
0x6a: {  	_ =	shalt  }
0x6b: {  	_ =	shalt  }
0x6c: {  	_ =	shalt  }
0x6d: {  	_ =	shalt  }
0x6e: {  	_ =	shalt  }
0x6f: {  	_ =	shalt  }
0x70: {  	_ =	shalt  }
0x71: {  	_ =	shalt  }
0x72: {  	_ =	shalt  }
0x73: {  	_ =	shalt  }
0x74: {  	_ =	shalt  }
0x75: {  	_ =	shalt  }
0x76: {  	_ =	shalt  }
0x77: {  	_ =	shalt  }
0x78: {  	_ =	shalt  }
0x79: {  	_ =	shalt  }
0x7a: {  	_ =	shalt  }
0x7b: {  	_ =	shalt  }
0x7c: {  	_ =	shalt  }
0x7d: {  	_ =	shalt  }
0x7e: {  	_ =	shalt  }
0x7f: {  	_ =	shalt  }
0x80: {  	_ =	shalt  }
0x81: {  	_ =	shalt  }
0x82: {  	_ =	shalt  }
0x83: {  	_ =	shalt  }
0x84: {  	_ =	shalt  }
0x85: {  	_ =	shalt  }
0x86: {  	_ =	shalt  }
0x87: {  	_ =	shalt  }
.Lfunc_end0:
.L_simem_size_0:
called_computation_lowered:
.L_overlay_start_0:
0x88: {  	s0 =	sld [smem:$0x3FD9]  }
0x89: {  	s1 =	sld [smem:$0x3FFE];
	_ =	sdelay $0x3  }
0x8a: {  	s0 =	sadd.s32 s1, s0  }
0x8b: {  	[smem:$0x3FC5] =	sst s0  }
0x8c: {  	_ = 	snop  }
0x8d: {  	s0 =	sld [smem:$0x3FD0];
	(tm) =	ssettm $0x1  }
0x8e: {  	s16 =	sld [smem:$0x3FFB];
	_ =	sdelay $0x3  }
0x8f: {  	_ =	strace s16  }
0x90: {  	s1 =	sld [smem:$0x3FFC];
	_ =	sdelay $0x3  }
0x91: {  	_ =	strace s1  }
0x92: {  	s1 =	sld [smem:$0x3FFD];
	_ =	sdelay $0x3  }
0x93: {  	_ =	strace s1  }
0x94: {  	_ =	strace $0x8FFFFFFF  }
0x95: {  	s17 =	sld [smem:$0x3FDB];
	_ =	sdelay $0x1  }
0x96: {  	s2 =	simm.s32 $_scs_section_size  }
0x97: {  	s3 =	simm.s32 $_size__tile_overlayer_lowered;
	s4 =	simm.s32 $_tile_overlayer_lowered  }
0x98: {  	s20 =	simm.s32 $0x1BFF;
	s19 =	sshll.u32 s4, $0x1;
	s1 =	sadd.s32 s2, s17  }
0x99: {  	s5 =	simm.s32 $0x0;
	s18 =	sshll.u32 s3, $0x1;
	s3 =	sadd.s32 s19, s1  }
0x9a: {  	[timem:s5], [sflag:s20] =	dma.local [hbm:s3], s18  }
0x9b: {  	_ =	swait.ge [sflag:s20], s18  }
0x9c: {  	s2 =	ssub.s32 $0x0, s18;
	[sflag:s20] =	ssyncset.done $0x0  }
0x9d: {  	[sflag:s20] =	ssyncadd.s32 s2;
	_ =	sdelay $0x1  }
0x9e: {  	s21 =	simm.s32 $0x1B8B  }
0x9f: {  	_ =	swait.ge [sflag:s21], $0x1  }
0xa0: {  	[sflag:s21] =	ssyncset.done $0x0  }
0xa1: {  	s23 =	simm.s32 $0x1B8E;
	s22 =	sld [smem:$0x3FFE];
	[sflag:s21] =	ssyncadd.s32 $0xFFFFFFFF  }
0xa2: {  	s24 =	simm.s32 $execute0_lowered;
	[smem:$0x3FD2] =	sst s23  }
0xa3: {  	s3 =	sshll.u32 s24, $0x1;
	_ =	strace $0x8000004C;
	[dreg:$0x1] =	wrdreg $0xFFFFFFFF  }
0xa4: {  	s25 =	simm.s32 $_size_execute0_lowered;
	s1 =	sadd.s32 s1, s3;
	[dreg:$0x0] =	wrdreg $0x0  }
0xa5: {  	s3 =	sshll.u32 s25, $0x1;
	[dreg:$0x2] =	wrdreg s1  }
0xa6: {  	[dreg:$0x3] =	wrdreg s3  }
0xa7: {  	[dreg:$0x4] =	wrdreg $0xC0  }
0xa8: {  	_ =	task [dreg:s5], $0x5FFFF  }
0xa9: {  	[dreg:$0x1] =	wrdreg $0xFFFFFFFF  }
0xaa: {  	[dreg:$0x0] =	wrdreg $0x60  }
0xab: {  	[dreg:$0x2] =	wrdreg s22  }
0xac: {  	[dreg:$0x3] =	wrdreg s0  }
0xad: {  	[dreg:$0x4] =	wrdreg $0x9  }
0xae: {  	_ =	task.clear_ibuf [dreg:s5], $0x5FFFF;
	_ =	strace $0x9000004C  }
0xaf: {  	s26 =	simm.s32 $0x9;
	_ =	strace $0x8000004E  }
0xb0: {  	_ =	swait.ge [sflag:s26], $0x1  }
0xb1: {  	[sflag:s26] =	ssyncadd.s32 $0xFFFFFFFF  }
0xb2: {  	_ =	strace $0x9000004E  }
0xb3: {  	_ =	sfence  }
0xb4: {  	s28 =	sld [smem:$0x0];
	_ =	sdelay $0x1  }
0xb5: {  	s29 =	srdreg.scid  }
0xb6: {  	s30 =	sshll.u32 s29, $0xD;
	s31 =	sshrl.u32 s29, $0x2  }
0xb7: {  	s2 =	sand.u32 $0x4000, s30;
	s1 =	sand.u32 $0x1, s29;
	s0 =	sadd.s32 s31, s28  }
0xb8: {  	s1 =	sor.u32 s2, s1;
	s0 =	sshll.u32 s0, $0x11  }
0xb9: {  	s0 =	sor.u32 s0, s1  }
0xba: {  	s0 =	sadd.s32 $0x8F2B, s0  }
0xbb: {  	[sflag:s0] =	ssyncadd.remote.s32 $0x1  }
0xbc: {  	_ =	sfence.sel $0xFFFF  }
0xbd: {  	[dreg:$0x0] =	wrdreg $0xFFFFFFFF;
	(pc) =	sbr.abs _section_cstart, $3  }
0xbe: {  	[dreg:$0x1] =	wrdreg $0xFFFFFFFF  }
0xbf: {  	_ =	task.clear_ibuf [dreg:s5], $0x2FFFF;
	_ =	strace $0x9FFFFFFF  }
0xc0: {  	(tm) =	ssettm $0x7FFFFFFF  }
0xc1: {  	_ =	shalt  }
tec
execute0_lowered:
.L_overlay_start_1:
0x0: {  	(tag) =	ssettag $0x1  }
0x1: {  	s1 =	rddreg [dreg:$0x0]  }
0x2: {  	s2 =	rddreg [dreg:$0x1]  }
0x3: {  	s0 =	rddreg [dreg:$0x2];
	_ =	strace $0x8000004D;
	s3 =	simm.s32 $0x1  }
0x4: {  	v1 =	vimm.s32 $0xFFFFFFFF;
	[sflag:s3] =	ssyncpa.u1 $0x0  }
0x5: {  	[tilespmem:$0x10] =	vst v1  }
0x6: {  	v0 =	vimm.s32 $0x0;
	[tilespmem:$0x20] =	vst v1  }
0x7: {  	[tilespmem:$0x30] =	vst v0  }
0x8: {  	[tilespmem:$0x40] =	vst v0  }
0x9: {  	s31 =	simm.s32 $0x2;
	[tilespmem:$0x50] =	vst v0  }
0xa: {  	s5 =	simm.s32 $0x7;
	s7 =	simm.s32 $0x8;
	s10 =	simm.s32 $0x9;
	[tilespmem:$0x60] =	vst v1  }
0xb: {  	s13 =	simm.s32 $0x0;
	s14 =	simm.s32 $0xFFFFE000;
	s15 =	simm.s32 $0xFF;
	[tilespmem:$0x70] =	vst v1  }
0xc: {  	p0 =	por $0x0, $0x0;
	s16 =	simm.s32 $0xFFFFC100;
	s17 =	simm.s32 $0xFFFFFFFE;
	[tilespmem:$0x80] =	vst v1  }
0xd: {  	s18 =	simm.s32 $0xF;
	s19 =	simm.s32 $0x30;
	s22 =	simm.s32 $0x0;
	[tilespmem:$0x90] =	vst v0  }
.Ltmp0:
0xe: {  	s20 =	simm.s32 $0x0;
	s3 =	stileid.u32;
	[tilespmem:$0xA0] =	vst v0;
	(pc) =	sbr.rel .LBB2_1-.Ltmp0, $4  }
0xf: {  	s4 =	sadd.s32 $0x200000, s1;
	[tilespmem:$0xB0] =	vst v0;
	[sflag:s31] =	ssyncpa.u1 $0x0;
	s6 =	sshll.u32 s3, $0x14  }
0x10: {  	s8 =	sshll.u32 s3, $0x1;
	s11 =	sshllo.u32 s3, $0x1;
	[sflag:s5] =	ssyncpa.u1 $0x0  }
0x11: {  	vm0 =	vmmov $0xffff;
	vm1 =	vmxor vm1, vm1;
	s9 =	sadd.s32 $0x100000, s6;
	s12 =	sor.u32 $0x80, s8;
	[sflag:s7] =	ssyncpa.u1 $0x0  }
0x12: {  	vm2 =	vmmov $0x1;
	vm3 =	vcmask $0x3F3C;
	v1 =	vlaneseq.u32;
	s21 =	smov.u32 s6;
	[sflag:s10] =	ssyncpa.u1 $0x0;
	s10 =	sor.u32 $0x81, s8  }
.LBB2_8:
0x13: {  	v2 =	vld [tilespmem:s25+$0x100F0];
	_ =	sdelay $0x4  }
0x14: {  	v2 =	vshift.insert v2, v0, s18;
	_ =	sdelay $0x1  }
0x15: {  	[tilespmem:s19+$0x0] =	vst.msk $0x1, v2  }
0x16: {  	v2 =	vsel vm4, $0x1, v0;
	[tilespmem:$0x90] =	vst v5  }
0x17: {  	s25 =	sadd.s32 @!p1 $0x100FF, s25;
	[tilespmem:$0xA0] =	vst v2  }
0x18: {  	[spmem:s11] =	stream.linear.scatter @!p1 [tilespmem:s25], [sflag:$0x1], $0x1, $0x38;
	[tilespmem:$0x12120] =	vst v63  }
0x19: {  	s25 =	simm.s32 @!p1 $0x1  }
0x1a: {  	v2 =	vmctz.xlane @!p1 vm4;
	_ =	swait.ge @!p1 [sflag:s25], $0x1  }
0x1b: {  	(v2sf) =	vpush @!p1 v3, $0x0  }
0x1c: {  	(v2sf) =	vpush @!p1 v2, $0x0;
	_ =	sdelay $0xd  }
0x1d: {  	s26 =	spop @!p1 (v2sf)  }
0x1e: {  	s28 =	spop @!p1 (v2sf)  }
0x1f: {  	p2 =	sne.s32 @!p1 s24, s26;
	p3 =	slt.s32 @!p1 s28, $0xF  }
0x20: {  	[sflag:s25] =	ssyncset.done @!p1 $0x0;
	p2 =	por p2, p1;
	p3 =	por !p3, p1  }
0x21: {  	[sflag:s25] =	ssyncadd.s32 @!p1 $0xFFFFFFFF;
	v2 =	vimm.s32 @!p2 $0xFFFFFFFF;
	s28 =	simm.s32 @p3 $0xF  }
0x22: {  	[tilespmem:$0x80] =	vst @!p2 v2;
	s24 =	sadd.s32 @!p1 $0x90, s28  }
0x23: {  	[spmem:s8] =	stream.linear.scatter @!p1 [tilespmem:s24], [sflag:$0x1], $0x1, $0x38;
	[tilespmem:$0x12120] =	vst v63  }
0x24: {  	_ =	swait.ge @!p1 [sflag:s25], $0x1  }
0x25: {  	[sflag:s25] =	ssyncset.done @!p1 $0x0  }
0x26: {  	s24 =	simm.s32 @!p1 $0x80;
	[sflag:s25] =	ssyncadd.s32 @!p1 $0xFFFFFFFF  }
0x27: {  	[spmem:s12] =	stream.linear.scatter @!p1 [tilespmem:s24], [sflag:$0x1], $0x1, $0x38;
	[tilespmem:$0x12120] =	vst v63  }
0x28: {  	_ =	swait.ge @!p1 [sflag:s25], $0x1  }
0x29: {  	[sflag:s25] =	ssyncset.done @!p1 $0x0  }
0x2a: {  	[sflag:s25] =	ssyncadd.s32 @!p1 $0xFFFFFFFF;
	(ifvalue) =	ssetifvalue $0xFFFFFFFF;
	v2 =	vld [tilespmem:s22+$0x10];
	_ =	sdelay $0x6  }
0x2b: {  	(ifvalue) =	ssetifvalue $0xFFFFFFFF  }
0x2c: {  	[hbm4b:s1+s13] =	stream.indirect_vreg.scatter [tilespmem:s23], [sflag:$0x9], $0x1, v2, vm0, $0x4038;
	[tilespmem:$0x12120] =	vst v63  }
.LBB2_9:
0x2d: {  	p1 =	slt.u32 s20, $0x3  }
0x2e: {  	s22 =	simm.s32 @!p1 $0x2  }
0x2f: {  	_ =	swait.ge @!p1 [sflag:s22], $0x2000  }
0x30: {  	[sflag:s22] =	ssyncset.done @!p1 $0x0  }
0x31: {  	[sflag:s22] =	ssyncadd.s32 @!p1 $0xFFFFE000;
	s22 =	simm.s32 @!p1 $0x9  }
0x32: {  	_ =	swait.ge @!p1 [sflag:s22], $0x10  }
0x33: {  	s20 =	sadd.s32 $0x1, s20;
	[sflag:s22] =	ssyncset.done @!p1 $0x0  }
0x34: {  	[sflag:s22] =	ssyncadd.s32 @!p1 $0xFFFFFFF0;
	p1 =	sne.s32 s20, $0x83  }
.Ltmp1:
0x35: {  	_ = 	snop;
	(pc) =	sbr.rel @!p1 .LBB2_10-.Ltmp1, $4  }
0x36: {  	s23 =	sadd.s32 $0x2000, s21;
	s24 =	smov.u32 s6  }
0x37: {  	s14 =	sadd.s32 $0x2000, s14;
	s15 =	sadd.s32 $0x1, s15;
	p2 =	slt.s32 s23, s9  }
0x38: {  	p0 =	por !p0, !p0;
	s16 =	sadd.s32 $0x2000, s16;
	s24 =	smov.u32 @p2 s23  }
0x39: {  	s17 =	sadd.s32 $0x1, s17;
	s22 =	smov.u32 s21;
	s21 =	smov.u32 s24  }
.LBB2_1:
0x3a: {  	p1 =	sgt.u32 s20, $0x7F  }
0x3b: {  	s23 =	smul.u32 @!p1 $0xAB, s20;
	_ =	sdelay $0x1  }
0x3c: {  	s23 =	sshrl.u32 @!p1 s23, $0x9  }
0x3d: {  	s23 =	sand.u32 @!p1 $0x7F, s23  }
0x3e: {  	s23 =	smul.u32 @!p1 $0x3, s23;
	_ =	sdelay $0x1  }
0x3f: {  	s23 =	ssub.s32 @!p1 s20, s23  }
0x40: {  	s23 =	sand.u32 @!p1 $0xFF, s23  }
0x41: {  	s24 =	sshrl.u32 @!p1 s21, $0x3;
	s23 =	sshll.u32 @!p1 s23, $0xD  }
0x42: {  	s25 =	sand.u32 @!p1 $0x7, s21;
	s24 =	sadd.s32 @!p1 s4, s24;
	s23 =	sor.u32 @!p1 $0x100, s23  }
0x43: {  	[tilespmem:s23], [sflag:$0x7] =	stream.linear.gather @!p1 [hbm4b:s24+s25], $0x2000, $0x38;
	[tilespmem:$0x12120] =	vst v63  }
0x44: {  	s24 =	sadd.s32 $0xFFFFFFFF, s20  }
0x45: {  	p1 =	sgt.u32 s24, $0x7F  }
.Ltmp2:
0x46: {  	_ = 	snop;
	(pc) =	sbr.rel @p1 .LBB2_5-.Ltmp2, $1  }
0x47: {  	_ =	sdelay $0x3  }
0x48: {  	s23 =	smul.u32 $0xAB, s24;
	_ =	sdelay $0x1  }
0x49: {  	s23 =	sshrl.u32 s23, $0x9  }
0x4a: {  	s23 =	sand.u32 $0x7F, s23  }
0x4b: {  	s23 =	smul.u32 $0x3, s23;
	_ =	sdelay $0x1  }
0x4c: {  	s23 =	ssub.s32 s24, s23  }
0x4d: {  	s23 =	sand.u32 $0xFF, s23  }
0x4e: {  	_ =	swait.ge [sflag:s5], $0x2000;
	s23 =	sshll.u32 s23, $0xD  }
0x4f: {  	[sflag:s5] =	ssyncset.done $0x0;
	s23 =	sor.u32 $0x100, s23  }
0x50: {  	[sflag:s5] =	ssyncadd.s32 $0xFFFFE000;
	(ifvalue) =	ssetifvalue $0xFFFFFFFF;
	v2 =	vld.msk [tilespmem:s23+$0x0 ss:$0x1], $0xffff;
	_ =	sdelay $0x1  }
0x51: {  	s28 =	sand.u32 $0xFF, s15  }
0x52: {  	p1 =	sne.s32 s20, $0x1;
	s25 =	smulhi.u32 $0x55555556, s28  }
0x53: {  	v3 =	vimm.s32 @!p1 $0x0  }
0x54: {  	s25 =	smul.u32 $0x18000, s25;
	v3 =	vperm.xlane @!p1 v2, v3  }
0x55: {  	s26 =	sshll.u32 s20, $0x4;
	s23 =	sshll.u32 s28, $0xF;
	vm4 =	vlt.u32 v2, $0x7FF800  }
0x56: {  	s29 =	sand.u32 $0x10, s26;
	s23 =	ssub.s32 s23, s25;
	v2 =	vnsel vm4, $0xFFFFFFFE, v2;
	vm4 =	vlt.u32 @!p1 v3, $0x7FF800  }
0x57: {  	s23 =	sshra.s32 s23, $0x2;
	[tilespmem:s29+$0x60] =	vst v2;
	v2 =	vnsel @!p1 vm4, $0xFFFFFFFE, v3  }
0x58: {  	s28 =	sadd.s32 $0x20F0, s23;
	[tilespmem:$0x80] =	vst @!p1 v2  }
0x59: {  	v2 =	vld.msk [tilespmem:s28+$0x0 ss:$0x1], $0xffff;
	_ =	sdelay $0x4  }
0x5a: {  	(xrf1) =	vunique.msk.u32 $0xffff, v2;
	_ =	sdelay $0xd  }
0x5b: {  	v3 =	vimm.s32 $0xFFFFFFFF;
	v4, _, _ =	vpop (xrf1)  }
0x5c: {  	vm5 =	vne.s32 v2, v3;
	vm4 =	veq.s32 v4, v1  }
0x5d: {  	vm6 =	vlt.u32 v2, $0x7FF800;
	vm4 =	vmand vm5, vm4  }
0x5e: {  	vm4 =	vmand vm6, vm4  }
0x5f: {  	v3 =	vnsel vm4, $0xFFFFFFFF, v2;
	_ =	sdelay $0x2  }
0x60: {  	s30 =	sand.u32 $0x2000, s14  }
0x61: {  	s31 =	sshll.u32 s24, $0xD;
	s23 =	sor.u32 $0x80F0, s30;
	(ifvalue) =	ssetifvalue $0xFFFFFFFF  }
0x62: {  	v2 =	vperm.xlane v2, v0;
	[tilespmem:s23], [sflag:$0x8] =	stream.indirect_vreg.gather [hbm4b:s1+s13], $0x1, v3, vm0, $0x4038;
	v3 =	vnsel vm6, $0xFFFFFFFE, v3;
	[tilespmem:$0x12120] =	vst v63  }
0x63: {  	s24 =	sand.u32 $0x2000, s31;
	s25 =	simm.s32 $0x0;
	s26 =	sadd.s32 $0xFFFFFFF0, s28;
	[tilespmem:s28+$0x0] =	vst v3  }
.LBB2_3:
0x64: {  	v3 =	vld.msk [tilespmem:s26+$0x0 ss:$0x1], $0xffff;
	s25 =	sadd.s32 $0x10, s25;
	v4 =	vmov v2;
	s28 =	smov.u32 s26  }
0x65: {  	p1 =	slt.u32 s25, $0x1FF0;
	_ =	sdelay $0x4  }
0x66: {  	v2 =	vperm.xlane v3, v0;
	(xrf1) =	vunique.msk.u32 $0xffff, v3;
	_ =	sdelay $0xd  }
0x67: {  	v5, _, _ =	vpop (xrf1)  }
0x68: {  	vm5 =	vne.s32 v3, v4;
	vm4 =	veq.s32 v5, v1  }
0x69: {  	vm6 =	vlt.u32 v3, $0x7FF800;
	vm4 =	vmand vm5, vm4  }
0x6a: {  	vm4 =	vmand vm6, vm4  }
0x6b: {  	v3 =	vnsel vm4, $0xFFFFFFFF, v3  }
.Ltmp3:
0x6c: {  	v4 =	vnsel vm6, $0xFFFFFFFE, v3;
	(pc) =	sbr.rel @p1 .LBB2_3-.Ltmp3, $3  }
0x6d: {  	_ =	sdelay $0x1  }
0x6e: {  	s26 =	sadd.s32 $0xFFFFFFF0, s26;
	s23 =	sadd.s32 $0xFFFFFFF0, s23;
	(ifvalue) =	ssetifvalue $0xFFFFFFFF  }
0x6f: {  	[tilespmem:s23], [sflag:$0x8] =	stream.indirect_vreg.gather [hbm4b:s1+s13], $0x1, v3, vm0, $0x4038;
	[tilespmem:s28+$0x0] =	vst v4  }
0x70: {  	s22 =	sshrl.u32 s22, $0x3  }
0x71: {  	s23 =	sadd.s32 $0xA100, s24;
	s22 =	sadd.s32 s2, s22  }
0x72: {  	[tilespmem:s23], [sflag:$0x8] =	stream.linear.gather [hbm:s22], $0x2000, $0x38;
	[tilespmem:$0x12120] =	vst v63  }
.LBB2_5:
0x73: {  	p1 =	slt.u32 s20, $0x2  }
0x74: {  	p2 =	seq.s32 @!p1 s20, $0x82  }
0x75: {  	p1 =	por p1, p2  }
.Ltmp4:
0x76: {  	_ = 	snop;
	(pc) =	sbr.rel @p1 .LBB2_9-.Ltmp4, $1  }
0x77: {  	_ =	sdelay $0x3  }
0x78: {  	s22 =	sadd.s32 $0xFFFFFFFE, s20  }
0x79: {  	s23 =	smulhi.u32 $0xAAAAAAAB, s22;
	_ =	sdelay $0x1  }
0x7a: {  	s23 =	sshrl.u32 s23, $0x1  }
0x7b: {  	s23 =	smul.u32 $0x3, s23;
	_ =	sdelay $0x1  }
0x7c: {  	_ =	swait.ge [sflag:s7], $0x4000;
	s22 =	ssub.s32 s22, s23  }
0x7d: {  	p1 =	sne.s32 s20, $0x81;
	[sflag:s7] =	ssyncset.done $0x0;
	s26 =	sshll.u32 s22, $0xD  }
0x7e: {  	[sflag:s7] =	ssyncadd.s32 $0xFFFFC000;
	s22 =	sadd.s32 @!p1 $0x20FF, s26  }
0x7f: {  	[spmem:s10] =	stream.linear.scatter @!p1 [tilespmem:s22], [sflag:$0x1], $0x1, $0x38;
	[tilespmem:$0x12120] =	vst v63  }
0x80: {  	s22 =	simm.s32 @!p1 $0x1  }
0x81: {  	_ =	swait.ge @!p1 [sflag:s22], $0x1  }
0x82: {  	s25 =	sshll.u32 s20, $0x4;
	[sflag:s22] =	ssyncset.done @!p1 $0x0  }
0x83: {  	[sflag:s22] =	ssyncadd.s32 @!p1 $0xFFFFFFFF;
	s22 =	sand.u32 $0x10, s25  }
0x84: {  	v3 =	vld [tilespmem:s22+$0x10];
	s28 =	sxor.u32 $0x10, s22  }
0x85: {  	v4 =	vld [tilespmem:s28+$0x60]  }
0x86: {  	v2 =	vld [tilespmem:$0x80];
	_ =	sdelay $0x2  }
0x87: {  	(v2sf) =	vpush v3, $0x0  }
0x88: {  	(v2sf) =	vpush v4, $0x0  }
0x89: {  	(v2sf) =	vpush v2, $0x0;
	_ =	sdelay $0xc  }
0x8a: {  	s23 =	spop (v2sf)  }
0x8b: {  	s25 =	spop (v2sf)  }
0x8c: {  	s24 =	spop (v2sf)  }
0x8d: {  	p2 =	seq.s32 s23, s25;
	p3 =	seq.s32 s24, s23  }
0x8e: {  	p3 =	por p2, p3  }
0x8f: {  	v3 =	vpsel p3, $0xFFFFFFFF, v3  }
0x90: {  	s23 =	sand.u32 $0x1, s20;
	[tilespmem:s22+$0x10] =	vst.msk $0x1, v3  }
0x91: {  	s25 =	sshll.u32 s23, $0xD;
	v3 =	vld [tilespmem:$0x30]  }
0x92: {  	v4 =	vld [tilespmem:s25+$0xA100]  }
0x93: {  	v5 =	vld [tilespmem:s22+$0x40];
	_ =	sdelay $0x2  }
0x94: {  	vm4 =	vmmov vm1  }
0x95: {  	vm5 =	vmmov vm2;
	vm4 =	vmmov @p2 vm2;
	s23 =	sshll.u32 s23, $0x4;
	v4 =	vadd.s32 v3, v4  }
0x96: {  	vm5 =	vmmov @p3 vm1;
	s23 =	sor.u32 $0x12100, s23;
	v3 =	vadd.s32 v3, v5;
	[tilespmem:s25+$0xA100] =	vst.msk vm4, v4  }
0x97: {  	[tilespmem:s23+$0x0] =	vst.msk vm5, v3  }
0x98: {  	v3 =	vld [tilespmem:s25+$0x80F0];
	_ =	sdelay $0x3  }
0x99: {  	v4 =	vimm.s32 $0x0  }
0x9a: {  	v3 =	vshift.insert v3, v4, s18  }
0x9b: {  	s29 =	sor.u32 $0x40, s28  }
0x9c: {  	[tilespmem:s29+$0x0] =	vst.msk $0x1, v3  }
0x9d: {  	[tilespmem:s25+$0x80FF] =	vst.msk $0x1, v4  }
0x9e: {  	v3 =	vld [tilespmem:s26+$0x20F0]  }
0x9f: {  	s26 =	smulhi.u32 $0xAAAAAAAB, s17;
	_ =	sdelay $0x1  }
0xa0: {  	s26 =	sshrl.u32 s26, $0x1  }
0xa1: {  	s26 =	smul.u32 $0xFFFE8000, s26  }
0xa2: {  	s29 =	simm.s32 $0x1;
	v3 =	vshift.insert v3, v4, s18  }
0xa3: {  	s29 =	simm.s32 @!p0 $0x0;
	s26 =	sshra.s32 s26, $0x2  }
0xa4: {  	s29 =	sshll.u32 s29, $0xD;
	s31 =	sadd.s32 s26, s16;
	[tilespmem:s28+$0x10] =	vst.msk $0x1, v3  }
0xa5: {  	s26 =	sadd.s32 $0xA100, s29;
	v5 =	vld [tilespmem:s31+$0x0]  }
0xa6: {  	v6 =	vld [tilespmem:s26+$0x0];
	_ =	sdelay $0x4  }
0xa7: {  	vm4 =	vne.s32 v5, $0xFFFFFFFF;
	v6 =	vadd.s32 v4, v6;
	v4 =	vperm.xlane v3, v4  }
0xa8: {  	s28 =	sadd.s32 $0x6100, s29;
	(xrf0) =	vadd.seg.scan.s32 vm4, v6  }
0xa9: {  	vm5 =	veq.s32 v5, v2;
	v6 =	vld [tilespmem:s28+$0x0];
	vm6 =	veq.s32 v5, v4  }
0xaa: {  	vm7 =	vgt.u32 v5, $0xFFFFFFFD;
	vm6 =	vmor vm6, vm5  }
0xab: {  	v7 =	vld [tilespmem:$0xA0];
	vm6 =	vmor vm6, vm7  }
0xac: {  	v9 =	vld [tilespmem:$0x90];
	v5 =	vsel vm6, $0xFFFFFFFF, v5;
	_ =	sdelay $0x1  }
0xad: {  	v6 =	vsel vm5, $0x0, v6;
	v8, _, _ =	vpop (xrf0)  }
0xae: {  	s29 =	sadd.s32 $0xE100, s29;
	vm4 =	vmand vm4, vm3;
	v6 =	vadd.s32 v6, v8  }
0xaf: {  	s30 =	simm.s32 $0x0;
	s31 =	sadd.s32 $0x10, s31;
	vm6 =	veq.s32 v7, $0x1;
	[tilespmem:s29+$0x0] =	vst v6;
	(ifvalue) =	ssetifvalue $0xFFFFFFFF;
	v6 =	vsel vm4, $0x0, v8  }
0xb0: {  	vm4 =	vmor vm6, vm5;
	[hbm4b:s1+s13] =	stream.indirect_vreg.scatter [tilespmem:s29], [sflag:$0x2], $0x1, v5, vm0, $0x4038;
	v5 =	vsel vm5, v8, v9;
	v6 =	vshift.insert v6, v0, s18;
	[tilespmem:$0x12120] =	vst v63  }
.LBB2_7:
0xb1: {  	v7 =	vld [tilespmem:s31+$0x0];
	s26 =	sadd.s32 $0x10, s26  }
0xb2: {  	s28 =	sadd.s32 $0x10, s28;
	v8 =	vld [tilespmem:s26+$0x0]  }
0xb3: {  	s30 =	sadd.s32 $0x10, s30;
	v9 =	vld [tilespmem:s28+$0x0]  }
0xb4: {  	p2 =	slt.u32 s30, $0x1FF0;
	_ =	sdelay $0x2  }
0xb5: {  	vm5 =	vne.s32 v7, $0xFFFFFFFF;
	v6 =	vadd.s32 v6, v8  }
0xb6: {  	vm6 =	vmand vm5, vm3;
	(xrf0) =	vadd.seg.scan.s32 vm5, v6  }
0xb7: {  	vm7 =	veq.s32 v7, v4;
	vm5 =	veq.s32 v7, v2  }
0xb8: {  	vm8 =	vgt.u32 v7, $0xFFFFFFFD;
	vm4 =	vmor vm4, vm5;
	vm7 =	vmor vm7, vm5  }
0xb9: {  	vm7 =	vmor vm7, vm8  }
0xba: {  	v7 =	vsel vm7, $0xFFFFFFFF, v7  }
.Ltmp5:
0xbb: {  	(pc) =	sbr.rel @p2 .LBB2_7-.Ltmp5, $4  }
0xbc: {  	v6 =	vsel vm5, $0x0, v9;
	v8, _, _ =	vpop (xrf0)  }
0xbd: {  	s29 =	sadd.s32 $0x10, s29;
	v5 =	vsel vm5, v8, v5;
	v6 =	vadd.s32 v6, v8;
	v8 =	vsel vm6, $0x0, v8  }
0xbe: {  	s31 =	sadd.s32 $0x10, s31;
	[tilespmem:s29+$0x0] =	vst v6;
	v6 =	vshift.insert v8, v0, s18;
	(ifvalue) =	ssetifvalue $0xFFFFFFFF  }
0xbf: {  	[hbm4b:s1+s13] =	stream.indirect_vreg.scatter [tilespmem:s29], [sflag:$0x2], $0x1, v7, vm0, $0x4038;
	[tilespmem:$0x12120] =	vst v63  }
.Ltmp6:
0xc0: {  	_ = 	snop;
	(pc) =	sbr.rel .LBB2_8-.Ltmp6, $1  }
0xc1: {  	_ =	sdelay $0x3  }
.LBB2_10:
0xc2: {  	_ =	sfence.sel $0x180000  }
0xc3: {  	s2 =	simm.s32 $0x7;
	[bflag:$0x0] =	sbarrier.arrive $0xFFFF  }
0xc4: {  	s26 =	simm.s32 $0x8;
	[sflag:s2] =	ssyncpa.u1 $0x1  }
0xc5: {  	s28 =	simm.s32 $0x9;
	[sflag:s26] =	ssyncpa.u1 $0x1  }
0xc6: {  	[sflag:s28] =	ssyncpa.u1 $0x1  }
0xc7: {  	_ =	sfence.stream.spmem  }
0xc8: {  	s29 =	simm.s32 $0x3;
	[bflag:$0x0] =	sbarrier.arrive $0xFFFF  }
0xc9: {  	s30 =	simm.s32 $0x4;
	[sflag:s29] =	ssyncpa.u1 $0x1  }
0xca: {  	s31 =	simm.s32 $0x3C;
	[sflag:s30] =	ssyncpa.u1 $0x1  }
0xcb: {  	p0 =	sne.s32 s3, $0x0;
	[sflag:s31] =	ssyncpa.u1 $0x1  }
0xcc: {  	s0 =	simm.s32 @p0 $0x1;
	_ =	sfence @p0  }
0xcd: {  	[sflag:s0] =	ssyncpa.u1 @p0 $0x1;
	s0 =	simm.s32 @p0 $0x2  }
0xce: {  	[sflag:s0] =	ssyncpa.u1 @p0 $0x1  }
0xcf: {  	_ =	strace @p0 $0x9000004D  }
0xd0: {  	[bflag:$0x2] =	sbarrier.arrive @p0 $0xFFFF  }
0xd1: {  	_ =	shalt @p0  }
.LBB2_11:
0xd2: {  	_ =	sfence.stream.spmem;
	s4 =	simm.s32 $0x5  }
0xd3: {  	s2 =	simm.s32 $0x80;
	s3 =	simm.s32 $0xC0;
	[sflag:s4] =	ssyncpa.u1 $0x0  }
0xd4: {  	[tilespmem:s3], [sflag:$0x5] =	stream.linear.gather [spmem:s2], $0x20, $0x38;
	[tilespmem:$0x12120] =	vst v63  }
0xd5: {  	s2 =	simm.s32 $0x0;
	s3 =	simm.s32 $0xE0  }
0xd6: {  	[tilespmem:s3], [sflag:$0x5] =	stream.linear.gather [spmem:s2], $0x20, $0x38;
	[tilespmem:$0x12120] =	vst v63  }
.Ltmp7:
0xd7: {  	_ = 	snop;
	(pc) =	sbr.rel .LBB2_12-.Ltmp7, $4  }
0xd8: {  	_ =	swait.ge [sflag:s4], $0x40  }
0xd9: {  	[sflag:s4] =	ssyncset.done $0x0  }
0xda: {  	s31 =	simm.s32 $0x6;
	[sflag:s4] =	ssyncadd.s32 $0xFFFFFFC0  }
0xdb: {  	s4 =	simm.s32 $0x0;
	[sflag:s31] =	ssyncpa.u1 $0x0  }
.LBB2_17:
0xdc: {  	p0 =	sgt.u32 s5, $0x7FF7FF  }
0xdd: {  	s6 =	sshrl.u32 @!p0 s5, $0x3  }
0xde: {  	s5 =	sand.u32 @!p0 $0x7, s5;
	s7 =	simm.s32 @!p0 $0xB0;
	s6 =	sadd.s32 @!p0 s1, s6  }
0xdf: {  	[tilespmem:s7], [sflag:$0x6] =	stream.linear.gather @!p0 [hbm4b:s6+s5], $0x1, $0x38;
	[tilespmem:$0x12120] =	vst v63  }
0xe0: {  	s5 =	simm.s32 @!p0 $0x6  }
0xe1: {  	_ =	swait.ge @!p0 [sflag:s5], $0x1  }
0xe2: {  	[sflag:s5] =	ssyncset.done @!p0 $0x0  }
0xe3: {  	[sflag:s5] =	ssyncadd.s32 @!p0 $0xFFFFFFFF  }
0xe4: {  	v2 =	vmov @!p0 s4;
	v1 =	vld.msk @!p0 [tilespmem:$0xB0], $0x1;
	_ =	sdelay $0x3  }
0xe5: {  	s5 =	simm.s32 @!p0 $0xE0  }
0xe6: {  	[tilespmem:v2+s5+$0x0], v1 =	vst.idx.ret.add.s32.msk @!p0 $0x1, v1  }
0xe7: {  	[tilespmem:s2+$0xC0] =	vst.msk $0x1, v0  }
0xe8: {  	v0 =	vld.msk [tilespmem:s4+$0xE0], $0x1;
	_ =	sdelay $0x4  }
0xe9: {  	[tilespmem:s2+$0xE0] =	vst.msk $0x1, v0;
	s2 =	sadd.s32 $0x1, s2  }
.LBB2_19:
0xea: {  	s4 =	sadd.s32 $0x1, s4  }
0xeb: {  	p0 =	sne.s32 s4, $0x20  }
.Ltmp8:
0xec: {  	_ = 	snop;
	(pc) =	sbr.rel @!p0 .LBB2_20-.Ltmp8, $1  }
0xed: {  	_ =	sdelay $0x3  }
.LBB2_12:
0xee: {  	v0 =	vld.msk [tilespmem:s4+$0xC0], $0x1;
	_ =	sdelay $0x4  }
0xef: {  	(v2sf) =	vpush v0, $0x0;
	_ =	sdelay $0xe  }
0xf0: {  	s5 =	spop (v2sf)  }
0xf1: {  	p0 =	seq.s32 s5, $0xFFFFFFFF  }
.Ltmp9:
0xf2: {  	_ = 	snop;
	(pc) =	sbr.rel @p0 .LBB2_19-.Ltmp9, $1  }
0xf3: {  	_ =	sdelay $0x3  }
0xf4: {  	p0 =	slt.s32 s2, $0x1  }
.Ltmp10:
0xf5: {  	_ = 	snop;
	(pc) =	sbr.rel @p0 .LBB2_17-.Ltmp10, $1  }
0xf6: {  	_ =	sdelay $0x3  }
0xf7: {  	s6 =	simm.s32 $0xC0;
	p0 =	por $0x0, $0x0  }
0xf8: {  	v1 =	vld.msk @!p0 [tilespmem:s6+$0x0], $0x1;
	_ =	sdelay $0x4  }
0xf9: {  	(v2sf) =	vpush @!p0 v1, $0x0;
	_ =	sdelay $0xd  }
0xfa: {  	p2 =	sne.s32 s2, $0x1  }
.Ltmp11:
0xfb: {  	s7 =	spop @!p0 (v2sf);
	(pc) =	sbr.rel @!p2 .LBB2_16-.Ltmp11, $4  }
0xfc: {  	p1 =	seq.s32 @!p0 s5, s7  }
0xfd: {  	s7 =	simm.s32 $0x0;
	p1 =	por !p1, p0  }
0xfe: {  	s9 =	simm.s32 $0xFFFFFFFF;
	s7 =	simm.s32 @p1 $0xFFFFFFFF  }
0xff: {  	s8 =	simm.s32 $0x1;
	s7 =	smov.u32 @p0 s9  }
.LBB2_15:
0x100: {  	s9 =	smov.u32 s7;
	p0 =	sne.s32 s7, $0xFFFFFFFF  }
0x101: {  	s6 =	sadd.s32 $0x1, s6;
	s7 =	smov.u32 s8;
	s8 =	sadd.s32 $0x1, s8  }
0x102: {  	p1 =	sne.s32 s2, s8;
	v1 =	vld.msk @!p0 [tilespmem:s6+$0x0], $0x1;
	_ =	sdelay $0x4  }
0x103: {  	(v2sf) =	vpush @!p0 v1, $0x0;
	_ =	sdelay $0xe  }
.Ltmp12:
0x104: {  	s10 =	spop @!p0 (v2sf);
	(pc) =	sbr.rel @p1 .LBB2_15-.Ltmp12, $4  }
0x105: {  	p2 =	seq.s32 @!p0 s5, s10  }
0x106: {  	p2 =	por !p2, p0  }
0x107: {  	s7 =	simm.s32 @p2 $0xFFFFFFFF  }
0x108: {  	s7 =	smov.u32 @p0 s9  }
.LBB2_16:
0x109: {  	p0 =	sne.s32 s7, $0xFFFFFFFF  }
.Ltmp13:
0x10a: {  	_ = 	snop;
	(pc) =	sbr.rel @!p0 .LBB2_17-.Ltmp13, $1  }
0x10b: {  	_ =	sdelay $0x3  }
0x10c: {  	v0 =	vld.msk [tilespmem:s4+$0xE0], $0x1;
	v1 =	vmov s7  }
.Ltmp14:
0x10d: {  	_ = 	snop;
	(pc) =	sbr.rel .LBB2_19-.Ltmp14, $2  }
0x10e: {  	_ =	sdelay $0x2  }
0x10f: {  	[tilespmem:v1+s3+$0x0], v0 =	vst.idx.ret.add.s32.msk $0x1, v0  }
.LBB2_20:
0x110: {  	p0 =	slt.s32 s2, $0x1  }
.Ltmp15:
0x111: {  	_ = 	snop;
	(pc) =	sbr.rel @p0 .LBB2_24-.Ltmp15, $3  }
0x112: {  	_ =	sdelay $0x1  }
0x113: {  	s3 =	simm.s32 $0x6  }
0x114: {  	[sflag:s3] =	ssyncpa.u1 $0x1;
	s3 =	simm.s32 $0x0  }
0x115: {  	s4 =	simm.s32 $0xC0  }
0x116: {  	v0 =	vld.msk [tilespmem:s4+$0x0], $0x1;
	_ =	sdelay $0x4  }
0x117: {  	(v2sf) =	vpush v0, $0x0;
	_ =	sdelay $0xe  }
0x118: {  	s2 =	sadd.s32 $0xFFFFFFFF, s2;
	s5 =	spop (v2sf)  }
0x119: {  	p1 =	sne.s32 s2, $0x0;
	p0 =	sgt.u32 s5, $0x7FF7FF  }
.Ltmp16:
0x11a: {  	s6 =	sshrl.u32 @!p0 s5, $0x3;
	(pc) =	sbr.rel @!p1 .LBB2_23-.Ltmp16, $4  }
0x11b: {  	s4 =	simm.s32 $0xE0;
	s5 =	sand.u32 @!p0 $0x7, s5;
	s6 =	sadd.s32 @!p0 s1, s6  }
0x11c: {  	[hbm4b:s6+s5] =	stream.linear.scatter @!p0 [tilespmem:s4], [sflag:$0x5], $0x1, $0x38;
	[tilespmem:$0x12120] =	vst v63  }
0x11d: {  	s6 =	simm.s32 $0x0  }
0x11e: {  	s5 =	simm.s32 $0xC1;
	s6 =	simm.s32 @!p0 $0x4  }
.LBB2_22:
0x11f: {  	v0 =	vld.msk [tilespmem:s5+$0x0], $0x1;
	s2 =	sadd.s32 $0xFFFFFFFF, s2;
	s3 =	sadd.s32 s3, s6  }
0x120: {  	p0 =	sne.s32 s2, $0x0;
	_ =	sdelay $0x3  }
0x121: {  	(v2sf) =	vpush v0, $0x0;
	_ =	sdelay $0xe  }
.Ltmp17:
0x122: {  	s7 =	spop (v2sf);
	(pc) =	sbr.rel @p0 .LBB2_22-.Ltmp17, $4  }
0x123: {  	s6 =	simm.s32 $0x0;
	p1 =	sgt.u32 s7, $0x7FF7FF  }
0x124: {  	s4 =	sadd.s32 $0x1, s4;
	s6 =	simm.s32 @!p1 $0x4;
	s8 =	sshrl.u32 @!p1 s7, $0x3  }
0x125: {  	s5 =	sadd.s32 $0x1, s5;
	s7 =	sand.u32 @!p1 $0x7, s7;
	s8 =	sadd.s32 @!p1 s1, s8  }
0x126: {  	[hbm4b:s8+s7] =	stream.linear.scatter @!p1 [tilespmem:s4], [sflag:$0x5], $0x1, $0x38;
	[tilespmem:$0x12120] =	vst v63  }
.LBB2_23:
0x127: {  	s1 =	sadd.s32 s3, s6  }
0x128: {  	s3 =	sshrl.u32 s1, $0x2  }
.LBB2_24:
0x129: {  	s1 =	simm.s32 $0x5  }
0x12a: {  	_ =	swait.ge [sflag:s1], s3  }
0x12b: {  	s2 =	ssub.s32 $0x0, s3;
	[sflag:s1] =	ssyncset.done $0x0  }
0x12c: {  	[sflag:s1] =	ssyncadd.s32 s2  }
0x12d: {  	[sflag:s1] =	ssyncpa.u1 $0x1  }
0x12e: {  	s30 =	simm.s32 $0x1;
	_ =	sfence  }
0x12f: {  	s31 =	simm.s32 $0x2;
	[sflag:s30] =	ssyncpa.u1 $0x1  }
0x130: {  	[sflag:s31] =	ssyncpa.u1 $0x1  }
0x131: {  	_ =	strace $0x9000004D  }
0x132: {  	s0 =	sadd.s32 $0x100000, s0;
	[bflag:$0x2] =	sbarrier.arrive $0xFFFF  }
0x133: {  	[sflag:s0] =	ssyncadd.tile.s32 $0x1;
	_ =	shalt  }
.Lfunc_end2:
_tile_overlayer_lowered:
.L_overlay_start_2:
0x134: {  	(tag) =	ssettag $0x2  }
0x135: {  	s0 =	rddreg [dreg:$0x0];
	s2 =	stileid.u32  }
0x136: {  	s1 =	rddreg [dreg:$0x1];
	p0 =	sne.s32 s2, $0x0  }
0x137: {  	s3 =	rddreg [dreg:$0x2];
	[bflag:$0x3] =	sbarrier.arrive $0xFFFF;
	s2 =	simm.s32 @!p0 $0x1C01  }
0x138: {  	[timem:s3], [sflag:s2] =	dma.local @!p0 [hbm:s0], s1  }
0x139: {  	s0 =	simm.s32 @!p0 $0x1  }
0x13a: {  	_ =	swait.ge @!p0 [sflag:s0], s1  }
0x13b: {  	s1 =	ssub.s32 @!p0 $0x0, s1;
	[sflag:s0] =	ssyncset.done @!p0 $0x0  }
0x13c: {  	[sflag:s0] =	ssyncadd.s32 @!p0 s1  }
0x13d: {  	[bflag:$0x3] =	sbarrier.arrive $0xFFFF  }
0x13e: {  	_ =	shalt  }

// kernel: sparse-core-data-format-call.1.cloned.1.call-start
scs
called_computation.2_lowered:
.L_overlay_start_0:
0x0: {  	s1 =	sld [smem:$0x3FD9]  }
0x1: {  	s2 =	sld [smem:$0x3FFE];
	_ =	sdelay $0x1  }
0x2: {  	s3 =	srdreg.scid  }
0x3: {  	s0 =	sand.u32 $0x1, s3  }
0x4: {  	s17 =	sshll.u32 s0, $0xA;
	s1 =	sadd.s32 s2, s1  }
0x5: {  	s1 =	sadd.s32 s1, s17  }
0x6: {  	[smem:$0x3FC5] =	sst s1  }
0x7: {  	_ = 	snop  }
0x8: {  	(tm) =	ssettm $0x1  }
0x9: {  	s18 =	sld [smem:$0x3FFB];
	_ =	sdelay $0x3  }
0xa: {  	_ =	strace s18  }
0xb: {  	s1 =	sld [smem:$0x3FFC];
	_ =	sdelay $0x3  }
0xc: {  	_ =	strace s1  }
0xd: {  	s1 =	sld [smem:$0x3FFD];
	_ =	sdelay $0x3  }
0xe: {  	_ =	strace s1  }
0xf: {  	_ =	strace $0x8FFFFFFF  }
0x10: {  	s19 =	sld [smem:$0x3FDB];
	_ =	sdelay $0x1  }
0x11: {  	s20 =	simm.s32 $_scs_section_size  }
0x12: {  	s4 =	simm.s32 $_size__tile_overlayer_lowered;
	s5 =	simm.s32 $_tile_overlayer_lowered  }
0x13: {  	s23 =	simm.s32 $0x1BFF;
	s22 =	sshll.u32 s5, $0x1;
	s1 =	sadd.s32 s20, s19  }
0x14: {  	s6 =	simm.s32 $0x0;
	s21 =	sshll.u32 s4, $0x1;
	s4 =	sadd.s32 s22, s1  }
0x15: {  	[timem:s6], [sflag:s23] =	dma.local [hbm:s4], s21  }
0x16: {  	_ =	swait.ge [sflag:s23], s21  }
0x17: {  	s2 =	ssub.s32 $0x0, s21;
	[sflag:s23] =	ssyncset.done $0x0  }
0x18: {  	[sflag:s23] =	ssyncadd.s32 s2;
	_ =	sdelay $0x1  }
0x19: {  	s24 =	simm.s32 $0x1B8B  }
0x1a: {  	_ =	swait.ge [sflag:s24], $0x1  }
0x1b: {  	[sflag:s24] =	ssyncset.done $0x0  }
0x1c: {  	s26 =	simm.s32 $0x1B8E;
	s25 =	sld [smem:$0x3FFE];
	[sflag:s24] =	ssyncadd.s32 $0xFFFFFFFF  }
0x1d: {  	s27 =	simm.s32 $execute0_lowered;
	[smem:$0x3FD2] =	sst s26  }
0x1e: {  	s4 =	sshll.u32 s27, $0x1;
	_ =	strace $0x8000004F;
	[dreg:$0x1] =	wrdreg $0xFFFFFFFF  }
0x1f: {  	s28 =	simm.s32 $_size_execute0_lowered;
	s1 =	sadd.s32 s1, s4;
	[dreg:$0x0] =	wrdreg $0x0  }
0x20: {  	s4 =	sshll.u32 s28, $0x1;
	[dreg:$0x2] =	wrdreg s1  }
0x21: {  	[dreg:$0x3] =	wrdreg s4  }
0x22: {  	[dreg:$0x4] =	wrdreg $0xC0  }
0x23: {  	_ =	task [dreg:s6], $0x5FFFF  }
0x24: {  	[dreg:$0x1] =	wrdreg $0xFFFFFFFF  }
0x25: {  	[dreg:$0x0] =	wrdreg $0x60  }
0x26: {  	[dreg:$0x2] =	wrdreg s25  }
0x27: {  	[dreg:$0x3] =	wrdreg $0x9  }
0x28: {  	_ =	task.clear_ibuf [dreg:s6], $0x4FFFF;
	_ =	strace $0x9000004F  }
0x29: {  	s29 =	simm.s32 $0x9;
	_ =	strace $0x80000051  }
0x2a: {  	_ =	swait.ge [sflag:s29], $0x1  }
0x2b: {  	[sflag:s29] =	ssyncadd.s32 $0xFFFFFFFF  }
0x2c: {  	_ =	strace $0x90000051  }
0x2d: {  	_ =	sfence  }
0x2e: {  	s30 =	sld [smem:$0x0];
	_ =	sdelay $0x2  }
0x2f: {  	s31 =	sshll.u32 s3, $0xD;
	s3 =	sshrl.u32 s3, $0x2  }
0x30: {  	s2 =	sand.u32 $0x4000, s31;
	s1 =	sadd.s32 s3, s30  }
0x31: {  	s0 =	sor.u32 s2, s0;
	s1 =	sshll.u32 s1, $0x11  }
0x32: {  	s0 =	sor.u32 s1, s0  }
0x33: {  	s0 =	sadd.s32 $0x8F2B, s0  }
0x34: {  	[sflag:s0] =	ssyncadd.remote.s32 $0x1  }
0x35: {  	_ =	sfence.sel $0xFFFF  }
0x36: {  	[dreg:$0x0] =	wrdreg $0xFFFFFFFF;
	(pc) =	sbr.abs _section_cstart, $3  }
0x37: {  	[dreg:$0x1] =	wrdreg $0xFFFFFFFF  }
0x38: {  	_ =	task.clear_ibuf [dreg:s6], $0x2FFFF;
	_ =	strace $0x9FFFFFFF  }
0x39: {  	(tm) =	ssettm $0x7FFFFFFF  }
tec
execute0_lowered:
.L_overlay_start_1:
0x0: {  	(tag) =	ssettag $0x1  }
0x1: {  	s2 =	rddreg [dreg:$0x0]  }
0x2: {  	s0 =	rddreg [dreg:$0x1]  }
0x3: {  	s1 =	srdreg.scid;
	_ =	strace $0x80000050;
	s6 =	simm.s32 $0x2  }
.Ltmp0:
0x4: {  	s9 =	simm.s32 $0x0;
	s4 =	sshll.u32 s1, $0x4;
	(pc) =	sbr.rel .LBB1_1-.Ltmp0, $4  }
0x5: {  	p0 =	por $0x0, $0x0;
	s1 =	stileid.u32;
	s5 =	sand.u32 $0x10, s4  }
0x6: {  	s7 =	simm.s32 $0x0;
	s4 =	simm.s32 $0x1;
	s5 =	sor.u32 s1, s5  }
0x7: {  	s3 =	sadd.s32 $0x100000, s2;
	[sflag:s4] =	ssyncpa.u1 $0x0;
	s5 =	sshll.u32 s5, $0x7  }
0x8: {  	[sflag:s6] =	ssyncpa.u1 $0x0;
	s6 =	simm.s32 $0x80000;
	s8 =	smov.u32 s5  }
.LBB1_5:
0x9: {  	s11 =	sadd.s32 $0x1000, s8  }
0xa: {  	p1 =	slt.u32 s7, $0x2;
	s7 =	sadd.s32 $0x1, s7;
	p2 =	sgt.s32 s11, $0xFFEF  }
0xb: {  	s11 =	smov.u32 @p2 s5;
	p2 =	sne.s32 s7, $0x12  }
.Ltmp1:
0xc: {  	_ = 	snop;
	(pc) =	sbr.rel @!p2 .LBB1_6-.Ltmp1, $4  }
0xd: {  	s10 =	simm.s32 @!p1 $0x2  }
0xe: {  	_ =	swait.ge @!p1 [sflag:s10], $0x4000  }
0xf: {  	s9 =	smov.u32 s8;
	[sflag:s10] =	ssyncset.done @!p1 $0x0  }
0x10: {  	p0 =	por !p0, !p0;
	s8 =	smov.u32 s11;
	[sflag:s10] =	ssyncadd.s32 @!p1 $0xFFFFC000  }
.LBB1_1:
0x11: {  	p1 =	sgt.u32 s7, $0xF  }
0x12: {  	s10 =	sand.u32 @!p1 $0x1FFFFFF, s8  }
0x13: {  	p2 =	sgt.s32 @!p1 s8, $0xFF70;
	s11 =	smulhi.u32 @!p1 $0x2002003, s10  }
0x14: {  	s12 =	smov.u32 s8;
	s13 =	sshra.s32 @!p1 s8, $0x1F;
	p2 =	por !p2, p1  }
0x15: {  	s13 =	sand.u32 @!p1 s13, s8;
	s12 =	simm.s32 @p2 $0xFF70;
	s11 =	sshrl.u32 @!p1 s11, $0x9  }
0x16: {  	s12 =	ssub.s32 @!p1 s12, s13;
	s11 =	smul.u32 @!p1 $0xFFF0, s11  }
0x17: {  	s13 =	sxor.u32 @!p1 $0xFFFFFFFF, s7;
	s12 =	sadd.s32 @!p1 $0xFFFF0090, s12  }
0x18: {  	s13 =	sshll.u32 @!p1 s13, $0xE;
	s10 =	ssub.s32 @!p1 s10, s11;
	s11 =	sshll.u32 @!p1 s12, $0x9  }
0x19: {  	s13 =	sand.u32 @!p1 $0x4000, s13;
	p2 =	sgt.s32 @!p1 s12, $0x7F;
	s11 =	ssub.s32 @!p1 $0x10000, s11  }
0x1a: {  	p2 =	por !p2, p1;
	s10 =	sshll.u32 @!p1 s10, $0x4;
	s11 =	sshrl.u32 @!p1 s11, $0x2  }
0x1b: {  	s12 =	simm.s32 @!p1 $0x0;
	s10 =	sadd.s32 @!p1 s2, s10;
	s11 =	simm.s32 @!p2 $0x0  }
0x1c: {  	[tilespmem:s13], [sflag:$0x1] =	stream.linear.gather @!p1 [hbm4b:s10+s12], s11, $0x38;
	[tilespmem:$0x10100] =	vst v63  }
0x1d: {  	p1 =	seq.s32 s7, $0x0  }
0x1e: {  	p2 =	seq.s32 @!p1 s7, $0x11  }
0x1f: {  	p1 =	por p1, p2  }
.Ltmp2:
0x20: {  	_ = 	snop;
	(pc) =	sbr.rel @p1 .LBB1_5-.Ltmp2, $1  }
0x21: {  	_ =	sdelay $0x3  }
0x22: {  	p1 =	sgt.s32 s9, $0xFF70;
	s10 =	smov.u32 s9;
	s11 =	sshra.s32 s9, $0x1F  }
0x23: {  	s10 =	simm.s32 @!p1 $0xFF70;
	s11 =	sand.u32 s11, s9  }
0x24: {  	s10 =	ssub.s32 s10, s11  }
0x25: {  	s10 =	sadd.s32 $0xFFFF0090, s10  }
0x26: {  	s29 =	sshll.u32 s10, $0x9  }
0x27: {  	s11 =	ssub.s32 $0x10000, s29  }
0x28: {  	p1 =	sgt.s32 s10, $0x7F;
	s10 =	sshrl.u32 s11, $0x2  }
0x29: {  	s11 =	simm.s32 $0x1;
	s10 =	simm.s32 @p1 $0x0  }
0x2a: {  	s11 =	simm.s32 @!p0 $0x0;
	_ =	swait.ge [sflag:s4], s10  }
0x2b: {  	s12 =	sshll.u32 s11, $0xE;
	s10 =	ssub.s32 $0x0, s10;
	[sflag:s4] =	ssyncset.done $0x0  }
0x2c: {  	s13 =	sor.u32 $0x40, s12;
	[sflag:s4] =	ssyncadd.s32 s10  }
0x2d: {  	s30 =	smul.u32 $0x10200, s11;
	v0 =	vld [tilespmem:s13+$0x30]  }
0x2e: {  	v3 =	vld [tilespmem:s13+$0xFFFFFFD0]  }
0x2f: {  	s10 =	sshrl.u32 s30, $0x2;
	v4 =	vld [tilespmem:s13+$0xFFFFFFE0]  }
0x30: {  	s11 =	sor.u32 $0x8000, s10;
	v5 =	vld [tilespmem:s13+$0xFFFFFFF0]  }
0x31: {  	s31 =	sand.u32 $0x1, s7;
	v1 =	vld [tilespmem:s13+$0x0];
	s12 =	sadd.s32 $0x0, s11  }
0x32: {  	s10 =	smul.u32 $0x10200, s31;
	v2 =	vld [tilespmem:s13+$0x10];
	[tilespmem:s12+$0x3870 ss:$0x81] =	vst.msk $0xffff, v0  }
0x33: {  	[tilespmem:s12+$0x810 ss:$0x81] =	vst.msk $0xffff, v3;
	v3 =	vld [tilespmem:s13+$0x20]  }
0x34: {  	s10 =	sshrl.u32 s10, $0x2;
	v0 =	vld [tilespmem:s13+$0xFFFFFFC0];
	[tilespmem:s12+$0x1020 ss:$0x81] =	vst.msk $0xffff, v4;
	s13 =	sadd.s32 $0x80, s13  }
0x35: {  	s14 =	simm.s32 $0x4;
	s15 =	simm.s32 $0x8;
	s10 =	sor.u32 $0x8000, s10;
	[tilespmem:s12+$0x1830 ss:$0x81] =	vst.msk $0xffff, v5;
	v4 =	vld [tilespmem:s13+$0x30]  }
.LBB1_3:
0x36: {  	p1 =	sne.s32 s15, $0x1FC;
	v5 =	vld [tilespmem:s13+$0xFFFFFFD0];
	[tilespmem:s12+$0x2040 ss:$0x81] =	vst.msk $0xffff, v1  }
0x37: {  	v6 =	vld [tilespmem:s13+$0xFFFFFFE0];
	[tilespmem:s12+$0x2850 ss:$0x81] =	vst.msk $0xffff, v2  }
0x38: {  	s16 =	sshra.s32 s14, $0x2;
	s14 =	smov.u32 s15;
	v7 =	vld [tilespmem:s13+$0xFFFFFFF0];
	[tilespmem:s12+$0x3060 ss:$0x81] =	vst.msk $0xffff, v3  }
.Ltmp3:
0x39: {  	v1 =	vld [tilespmem:s13+$0x0];
	[tilespmem:s12+$0x0 ss:$0x81] =	vst.msk $0xffff, v0;
	s12 =	sadd.s32 s16, s11;
	(pc) =	sbr.rel @p1 .LBB1_3-.Ltmp3, $4  }
0x3a: {  	v2 =	vld [tilespmem:s13+$0x10];
	[tilespmem:s12+$0x3870 ss:$0x81] =	vst.msk $0xffff, v4  }
0x3b: {  	[tilespmem:s12+$0x810 ss:$0x81] =	vst.msk $0xffff, v5;
	v3 =	vld [tilespmem:s13+$0x20]  }
0x3c: {  	v0 =	vld [tilespmem:s13+$0xFFFFFFC0];
	[tilespmem:s12+$0x1020 ss:$0x81] =	vst.msk $0xffff, v6;
	s13 =	sadd.s32 $0x80, s13  }
0x3d: {  	s15 =	sadd.s32 $0x4, s15;
	v4 =	vld [tilespmem:s13+$0x30];
	[tilespmem:s12+$0x1830 ss:$0x81] =	vst.msk $0xffff, v7  }
0x3e: {  	v5 =	vld [tilespmem:s13+$0xFFFFFFD0];
	[tilespmem:s12+$0x2040 ss:$0x81] =	vst.msk $0xffff, v1  }
0x3f: {  	v58 =	vld [tilespmem:s13+$0xFFFFFFE0];
	[tilespmem:s12+$0x2850 ss:$0x81] =	vst.msk $0xffff, v2  }
0x40: {  	s14 =	sshra.s32 s14, $0x2;
	v59 =	vld [tilespmem:s13+$0xFFFFFFF0];
	[tilespmem:s12+$0x3060 ss:$0x81] =	vst.msk $0xffff, v3  }
0x41: {  	v60 =	vld [tilespmem:s13+$0x0];
	s11 =	sadd.s32 s14, s11;
	[tilespmem:s12+$0x0 ss:$0x81] =	vst.msk $0xffff, v0  }
0x42: {  	v61 =	vld [tilespmem:s13+$0x10];
	[tilespmem:s11+$0x3870 ss:$0x81] =	vst.msk $0xffff, v4  }
0x43: {  	v62 =	vld [tilespmem:s13+$0x20];
	[tilespmem:s11+$0x810 ss:$0x81] =	vst.msk $0xffff, v5  }
0x44: {  	v63 =	vld [tilespmem:s13+$0xFFFFFFC0];
	[tilespmem:s11+$0x1020 ss:$0x81] =	vst.msk $0xffff, v58  }
0x45: {  	s27 =	sshll.u32 s9, $0x3;
	[tilespmem:s11+$0x1830 ss:$0x81] =	vst.msk $0xffff, v59  }
.Ltmp4:
0x46: {  	s28 =	sand.u32 $0x78, s9;
	s12 =	sand.u32 $0xFC00, s27;
	[tilespmem:s11+$0x2040 ss:$0x81] =	vst.msk $0xffff, v60;
	(pc) =	sbr.rel .LBB1_5-.Ltmp4, $4  }
0x47: {  	s29 =	sand.u32 $0xFE000, s9;
	s30 =	sand.u32 $0x7, s9;
	s12 =	sor.u32 s28, s12;
	[tilespmem:s11+$0x2850 ss:$0x81] =	vst.msk $0xffff, v61  }
0x48: {  	s13 =	sadd.s32 s3, s29;
	s9 =	sshll.u32 s30, $0x12;
	[tilespmem:s11+$0x3060 ss:$0x81] =	vst.msk $0xffff, v62;
	s12 =	sshrl.u32 s12, $0x3  }
0x49: {  	s9 =	sor.u32 $0x400, s9;
	[tilespmem:s11+$0x0 ss:$0x81] =	vst.msk $0xffff, v63;
	s31 =	sadd.s32 s12, s13  }
0x4a: {  	[hbm4b:s31+s9] =	stream.strided.scatter [tilespmem:s10], [sflag:$0x2], $0x4000, s6, s9, $0x20;
	[tilespmem:$0x10100] =	vst v63  }
.LBB1_6:
0x4b: {  	_ =	sfence.sel $0x180000  }
0x4c: {  	s2 =	simm.s32 $0x1;
	[bflag:$0x0] =	sbarrier.arrive $0xFFFF  }
0x4d: {  	s31 =	simm.s32 $0x2;
	[sflag:s2] =	ssyncpa.u1 $0x1  }
0x4e: {  	[sflag:s31] =	ssyncpa.u1 $0x1  }
0x4f: {  	p0 =	sne.s32 s1, $0x0;
	_ =	strace $0x90000050  }
0x50: {  	s0 =	sadd.s32 @!p0 $0x100000, s0;
	[bflag:$0x2] =	sbarrier.arrive $0xFFFF  }
0x51: {  	[sflag:s0] =	ssyncadd.tile.s32 @!p0 $0x1;
	_ =	shalt  }
.Lfunc_end1:
_tile_overlayer_lowered:
.L_overlay_start_2:
0x52: {  	(tag) =	ssettag $0x2  }
0x53: {  	s0 =	rddreg [dreg:$0x0];
	s2 =	stileid.u32  }
0x54: {  	s1 =	rddreg [dreg:$0x1];
	p0 =	sne.s32 s2, $0x0  }
0x55: {  	s3 =	rddreg [dreg:$0x2];
	[bflag:$0x3] =	sbarrier.arrive $0xFFFF;
	s2 =	simm.s32 @!p0 $0x1C01  }
0x56: {  	[timem:s3], [sflag:s2] =	dma.local @!p0 [hbm:s0], s1  }
0x57: {  	s0 =	simm.s32 @!p0 $0x1  }
0x58: {  	_ =	swait.ge @!p0 [sflag:s0], s1  }
0x59: {  	s1 =	ssub.s32 @!p0 $0x0, s1;
	[sflag:s0] =	ssyncset.done @!p0 $0x0  }
0x5a: {  	[sflag:s0] =	ssyncadd.s32 @!p0 s1  }
0x5b: {  	[bflag:$0x3] =	sbarrier.arrive $0xFFFF  }
0x5c: {  	_ =	shalt  }

// kernel: sparse-core-data-format-call.2.cloned.1.call-start
scs
called_computation.3_lowered:
.L_overlay_start_0:
0x0: {  	s2 =	sld [smem:$0x3FD9]  }
0x1: {  	s3 =	sld [smem:$0x3FFE];
	_ =	sdelay $0x1  }
0x2: {  	s1 =	srdreg.scid  }
0x3: {  	s0 =	sand.u32 $0x1, s1  }
0x4: {  	s18 =	sshll.u32 s0, $0xA;
	s2 =	sadd.s32 s3, s2  }
0x5: {  	s2 =	sadd.s32 s2, s18  }
0x6: {  	[smem:$0x3FC5] =	sst s2  }
0x7: {  	_ = 	snop  }
0x8: {  	s2 =	sld [smem:$0x3FD0];
	(tm) =	ssettm $0x1  }
0x9: {  	s19 =	sld [smem:$0x3FFB];
	_ =	sdelay $0x3  }
0xa: {  	_ =	strace s19  }
0xb: {  	s3 =	sld [smem:$0x3FFC];
	_ =	sdelay $0x3  }
0xc: {  	_ =	strace s3  }
0xd: {  	s3 =	sld [smem:$0x3FFD];
	_ =	sdelay $0x3  }
0xe: {  	_ =	strace s3  }
0xf: {  	_ =	strace $0x8FFFFFFF  }
0x10: {  	s20 =	sld [smem:$0x3FDB];
	_ =	sdelay $0x1  }
0x11: {  	s4 =	simm.s32 $_scs_section_size  }
0x12: {  	s5 =	simm.s32 $_size__tile_overlayer_lowered;
	s6 =	simm.s32 $_tile_overlayer_lowered  }
0x13: {  	s23 =	simm.s32 $0x1BFF;
	s22 =	sshll.u32 s6, $0x1;
	s3 =	sadd.s32 s4, s20  }
0x14: {  	s7 =	simm.s32 $0x0;
	s21 =	sshll.u32 s5, $0x1;
	s5 =	sadd.s32 s22, s3  }
0x15: {  	[timem:s7], [sflag:s23] =	dma.local [hbm:s5], s21  }
0x16: {  	_ =	swait.ge [sflag:s23], s21  }
0x17: {  	s4 =	ssub.s32 $0x0, s21;
	[sflag:s23] =	ssyncset.done $0x0  }
0x18: {  	[sflag:s23] =	ssyncadd.s32 s4;
	_ =	sdelay $0x1  }
0x19: {  	s24 =	simm.s32 $0x1B8B  }
0x1a: {  	_ =	swait.ge [sflag:s24], $0x1  }
0x1b: {  	[sflag:s24] =	ssyncset.done $0x0  }
0x1c: {  	s26 =	simm.s32 $0x1B8E;
	s25 =	sld [smem:$0x3FFE];
	[sflag:s24] =	ssyncadd.s32 $0xFFFFFFFF  }
0x1d: {  	s27 =	simm.s32 $execute0_lowered;
	[smem:$0x3FD2] =	sst s26  }
0x1e: {  	s5 =	sshll.u32 s27, $0x1;
	_ =	strace $0x80000049;
	[dreg:$0x1] =	wrdreg $0xFFFFFFFF  }
0x1f: {  	s28 =	simm.s32 $_size_execute0_lowered;
	s3 =	sadd.s32 s3, s5;
	[dreg:$0x0] =	wrdreg $0x0  }
0x20: {  	s5 =	sshll.u32 s28, $0x1;
	[dreg:$0x2] =	wrdreg s3  }
0x21: {  	[dreg:$0x3] =	wrdreg s5  }
0x22: {  	[dreg:$0x4] =	wrdreg $0xC0  }
0x23: {  	_ =	task [dreg:s7], $0x5FFFF  }
0x24: {  	[dreg:$0x1] =	wrdreg $0xFFFFFFFF  }
0x25: {  	[dreg:$0x0] =	wrdreg $0x60  }
0x26: {  	[dreg:$0x2] =	wrdreg s2  }
0x27: {  	[dreg:$0x3] =	wrdreg s25  }
0x28: {  	[dreg:$0x4] =	wrdreg $0x9  }
0x29: {  	_ =	task.clear_ibuf [dreg:s7], $0x5FFFF;
	_ =	strace $0x90000049  }
0x2a: {  	s29 =	simm.s32 $0x9;
	_ =	strace $0x8000004B  }
0x2b: {  	_ =	swait.ge [sflag:s29], $0x1  }
0x2c: {  	[sflag:s29] =	ssyncadd.s32 $0xFFFFFFFF  }
0x2d: {  	_ =	strace $0x9000004B  }
0x2e: {  	_ =	sfence  }
0x2f: {  	s30 =	sld [smem:$0x0];
	_ =	sdelay $0x2  }
0x30: {  	s31 =	sshll.u32 s1, $0xD;
	s1 =	sshrl.u32 s1, $0x2  }
0x31: {  	s3 =	sand.u32 $0x4000, s31;
	s1 =	sadd.s32 s1, s30  }
0x32: {  	s0 =	sor.u32 s3, s0;
	s1 =	sshll.u32 s1, $0x11  }
0x33: {  	s0 =	sor.u32 s1, s0  }
0x34: {  	s0 =	sadd.s32 $0x8F2B, s0  }
0x35: {  	[sflag:s0] =	ssyncadd.remote.s32 $0x1  }
0x36: {  	_ =	sfence.sel $0xFFFF  }
0x37: {  	[dreg:$0x0] =	wrdreg $0xFFFFFFFF;
	(pc) =	sbr.abs _section_cstart, $3  }
0x38: {  	[dreg:$0x1] =	wrdreg $0xFFFFFFFF  }
0x39: {  	_ =	task.clear_ibuf [dreg:s7], $0x2FFFF;
	_ =	strace $0x9FFFFFFF  }
0x3a: {  	(tm) =	ssettm $0x7FFFFFFF  }
0x3b: {  	_ =	shalt  }
tec
execute0_lowered:
.L_overlay_start_1:
0x0: {  	(tag) =	ssettag $0x1  }
0x1: {  	s0 =	srdreg.scid  }
0x2: {  	s1 =	sshll.u32 s0, $0x4  }
0x3: {  	s2 =	rddreg [dreg:$0x0];
	s0 =	stileid.u32;
	s1 =	sand.u32 $0x10, s1  }
0x4: {  	s3 =	rddreg [dreg:$0x1];
	s5 =	simm.s32 $0x1;
	s1 =	sor.u32 s0, s1  }
0x5: {  	s8 =	simm.s32 $0x2;
	s12 =	simm.s32 $0x0;
	s4 =	sshll.u32 s1, $0x7  }
0x6: {  	s11 =	simm.s32 $0x0;
	s9 =	simm.s32 $0x0;
	s6 =	ssub.s32 $0x20000, s4  }
.Ltmp0:
0x7: {  	s1 =	rddreg [dreg:$0x2];
	s7 =	sand.u32 $0xF80, s6;
	(pc) =	sbr.rel .LBB1_1-.Ltmp0, $4  }
0x8: {  	_ =	strace $0x8000004A;
	p0 =	sne.s32 s7, $0x0;
	s7 =	simm.s32 $0x1  }
0x9: {  	[sflag:s5] =	ssyncpa.u1 $0x0;
	s6 =	sshrl.u32 s6, $0xC;
	s7 =	simm.s32 @!p0 $0x0  }
0xa: {  	s10 =	simm.s32 $0x0;
	[sflag:s8] =	ssyncpa.u1 $0x0;
	s6 =	sadd.s32 s7, s6  }
0xb: {  	s8 =	smov.u32 s4;
	p0 =	por $0x0, $0x0;
	s7 =	sadd.s32 $0x1, s6  }
.LBB1_4:
0xc: {  	v5 =	vld [tilespmem:s16+$0xFFFFFFD0];
	[tilespmem:s15+$0x2040 ss:$0x81] =	vst.msk $0xffff, v1  }
0xd: {  	v58 =	vld [tilespmem:s16+$0xFFFFFFE0];
	[tilespmem:s15+$0x2850 ss:$0x81] =	vst.msk $0xffff, v2  }
0xe: {  	s17 =	sshra.s32 s17, $0x2;
	v59 =	vld [tilespmem:s16+$0xFFFFFFF0];
	[tilespmem:s15+$0x3060 ss:$0x81] =	vst.msk $0xffff, v3  }
0xf: {  	v60 =	vld [tilespmem:s16+$0x0];
	[tilespmem:s15+$0x0 ss:$0x81] =	vst.msk $0xffff, v0;
	s14 =	sadd.s32 s17, s14  }
0x10: {  	v61 =	vld [tilespmem:s16+$0x10];
	[tilespmem:s14+$0x3870 ss:$0x81] =	vst.msk $0xffff, v4  }
0x11: {  	v62 =	vld [tilespmem:s16+$0x20];
	s12 =	sshll.u32 s12, $0x7;
	s28 =	sshll.u32 s11, $0x3;
	[tilespmem:s14+$0x810 ss:$0x81] =	vst.msk $0xffff, v5  }
0x12: {  	v63 =	vld [tilespmem:s16+$0xFFFFFFC0];
	s29 =	sand.u32 $0xFFFC00, s12;
	s15 =	sand.u32 $0xFFFC00, s28;
	[tilespmem:s14+$0x1020 ss:$0x81] =	vst.msk $0xffff, v58  }
0x13: {  	s12 =	sand.u32 $0x380, s12;
	s15 =	sadd.s32 s15, s29;
	[tilespmem:s14+$0x1830 ss:$0x81] =	vst.msk $0xffff, v59  }
0x14: {  	s30 =	sshrl.u32 s11, $0x3;
	s12 =	sor.u32 s12, s15;
	[tilespmem:s14+$0x2040 ss:$0x81] =	vst.msk $0xffff, v60  }
0x15: {  	s15 =	sand.u32 $0xF, s30;
	s12 =	sshrl.u32 s12, $0x3;
	[tilespmem:s14+$0x2850 ss:$0x81] =	vst.msk $0xffff, v61  }
0x16: {  	s15 =	sadd.s32 s3, s15;
	[tilespmem:s14+$0x3060 ss:$0x81] =	vst.msk $0xffff, v62;
	s12 =	sand.u32 $0x1FFFF0, s12  }
0x17: {  	s31 =	sand.u32 $0x7, s11;
	[tilespmem:s14+$0x0 ss:$0x81] =	vst.msk $0xffff, v63;
	s12 =	sadd.s32 s12, s15  }
0x18: {  	[hbm4b:s12+s31] =	stream.linear.scatter [tilespmem:s13], [sflag:$0x2], $0x4000, $0x20;
	[tilespmem:$0x10100] =	vst v63  }
.LBB1_5:
0x19: {  	s13 =	sadd.s32 $0x1000, s8  }
0x1a: {  	s11 =	sadd.s32 $0x80, s9;
	s15 =	smov.u32 s9;
	p2 =	sgt.s32 s13, $0x1FFFF  }
0x1b: {  	s15 =	smov.u32 @p2 s11  }
0x1c: {  	s13 =	smov.u32 @p2 s4;
	p2 =	sgt.s32 s15, $0x7F  }
0x1d: {  	s15 =	simm.s32 @p2 $0x0;
	p2 =	sne.s32 s10, s7  }
.Ltmp1:
0x1e: {  	p1 =	slt.u32 s10, $0x2;
	(pc) =	sbr.rel @!p2 .LBB1_6-.Ltmp1, $4  }
0x1f: {  	s14 =	simm.s32 @!p1 $0x2  }
0x20: {  	s12 =	smov.u32 s8;
	p0 =	por !p0, !p0;
	_ =	swait.ge @!p1 [sflag:s14], $0x4000  }
0x21: {  	s11 =	smov.u32 s9;
	[sflag:s14] =	ssyncset.done @!p1 $0x0;
	s8 =	smov.u32 s13  }
0x22: {  	s10 =	sadd.s32 $0x1, s10;
	[sflag:s14] =	ssyncadd.s32 @!p1 $0xFFFFC000;
	s9 =	smov.u32 s15  }
.LBB1_1:
0x23: {  	p1 =	sge.u32 s10, s6;
	s31 =	sadd.s32 $0xFFFFFFFF, s10  }
0x24: {  	s13 =	sand.u32 @!p1 $0x78, s8;
	s14 =	sshll.u32 @!p1 s9, $0x11;
	s15 =	sshll.u32 @!p1 s9, $0x7  }
0x25: {  	s16 =	sshll.u32 @!p1 s8, $0x3;
	s14 =	sand.u32 @!p1 $0xF00000, s14;
	s15 =	sand.u32 @!p1 $0x380, s15  }
0x26: {  	s14 =	sadd.s32 @!p1 s14, s16;
	s16 =	sand.u32 @!p1 $0x1FC00, s16;
	s13 =	sor.u32 @!p1 s15, s13  }
0x27: {  	s15 =	sxor.u32 @!p1 $0xFFFFFFFF, s10;
	s14 =	sand.u32 @!p1 $0xFE0000, s14;
	s13 =	sor.u32 @!p1 s16, s13  }
0x28: {  	s15 =	sshll.u32 @!p1 s15, $0xE;
	s13 =	sor.u32 @!p1 s14, s13;
	s14 =	sand.u32 @!p1 $0x7, s8  }
0x29: {  	s16 =	simm.s32 @!p1 $0x100000;
	s13 =	sshrl.u32 @!p1 s13, $0x3;
	s14 =	sshll.u32 @!p1 s14, $0x12  }
0x2a: {  	s15 =	sand.u32 @!p1 $0x4000, s15;
	s13 =	sadd.s32 @!p1 s2, s13;
	s14 =	sor.u32 @!p1 $0x400, s14  }
0x2b: {  	[tilespmem:s15], [sflag:$0x1] =	stream.strided.gather @!p1 [hbm4b:s13+s14], $0x4000, s16, s14, $0x38;
	[tilespmem:$0x10100] =	vst v63  }
0x2c: {  	p1 =	sge.u32 s31, s6  }
.Ltmp2:
0x2d: {  	_ = 	snop;
	(pc) =	sbr.rel @p1 .LBB1_5-.Ltmp2, $1  }
0x2e: {  	_ =	sdelay $0x3  }
0x2f: {  	s13 =	simm.s32 $0x1  }
0x30: {  	_ =	swait.ge [sflag:s5], $0x4000;
	s13 =	simm.s32 @!p0 $0x0  }
0x31: {  	[sflag:s5] =	ssyncset.done $0x0;
	s14 =	sshll.u32 s13, $0xE  }
0x32: {  	[sflag:s5] =	ssyncadd.s32 $0xFFFFC000;
	s16 =	sor.u32 $0x40, s14  }
0x33: {  	s13 =	smul.u32 $0x10200, s13;
	v0 =	vld [tilespmem:s16+$0x30]  }
0x34: {  	v3 =	vld [tilespmem:s16+$0xFFFFFFD0]  }
0x35: {  	s13 =	sshrl.u32 s13, $0x2;
	v4 =	vld [tilespmem:s16+$0xFFFFFFE0]  }
0x36: {  	v5 =	vld [tilespmem:s16+$0xFFFFFFF0];
	s14 =	sor.u32 $0x8000, s13  }
0x37: {  	s31 =	sand.u32 $0x1, s10;
	v1 =	vld [tilespmem:s16+$0x0];
	s15 =	sadd.s32 $0x0, s14  }
0x38: {  	v2 =	vld [tilespmem:s16+$0x10];
	s13 =	smul.u32 $0x10200, s31;
	[tilespmem:s15+$0x3870 ss:$0x81] =	vst.msk $0xffff, v0  }
0x39: {  	[tilespmem:s15+$0x810 ss:$0x81] =	vst.msk $0xffff, v3;
	v3 =	vld [tilespmem:s16+$0x20]  }
0x3a: {  	s13 =	sshrl.u32 s13, $0x2;
	v0 =	vld [tilespmem:s16+$0xFFFFFFC0];
	[tilespmem:s15+$0x1020 ss:$0x81] =	vst.msk $0xffff, v4;
	s16 =	sadd.s32 $0x80, s16  }
0x3b: {  	s17 =	simm.s32 $0x4;
	s18 =	simm.s32 $0x8;
	s13 =	sor.u32 $0x8000, s13;
	[tilespmem:s15+$0x1830 ss:$0x81] =	vst.msk $0xffff, v5;
	v4 =	vld [tilespmem:s16+$0x30]  }
.LBB1_3:
0x3c: {  	p1 =	sne.s32 s18, $0x1FC;
	v5 =	vld [tilespmem:s16+$0xFFFFFFD0];
	[tilespmem:s15+$0x2040 ss:$0x81] =	vst.msk $0xffff, v1  }
0x3d: {  	v6 =	vld [tilespmem:s16+$0xFFFFFFE0];
	[tilespmem:s15+$0x2850 ss:$0x81] =	vst.msk $0xffff, v2  }
0x3e: {  	s19 =	sshra.s32 s17, $0x2;
	s17 =	smov.u32 s18;
	v7 =	vld [tilespmem:s16+$0xFFFFFFF0];
	[tilespmem:s15+$0x3060 ss:$0x81] =	vst.msk $0xffff, v3  }
.Ltmp3:
0x3f: {  	v1 =	vld [tilespmem:s16+$0x0];
	[tilespmem:s15+$0x0 ss:$0x81] =	vst.msk $0xffff, v0;
	s15 =	sadd.s32 s19, s14;
	(pc) =	sbr.rel @p1 .LBB1_3-.Ltmp3, $4  }
0x40: {  	v2 =	vld [tilespmem:s16+$0x10];
	[tilespmem:s15+$0x3870 ss:$0x81] =	vst.msk $0xffff, v4  }
0x41: {  	[tilespmem:s15+$0x810 ss:$0x81] =	vst.msk $0xffff, v5;
	v3 =	vld [tilespmem:s16+$0x20]  }
0x42: {  	v0 =	vld [tilespmem:s16+$0xFFFFFFC0];
	[tilespmem:s15+$0x1020 ss:$0x81] =	vst.msk $0xffff, v6;
	s16 =	sadd.s32 $0x80, s16  }
0x43: {  	s18 =	sadd.s32 $0x4, s18;
	v4 =	vld [tilespmem:s16+$0x30];
	[tilespmem:s15+$0x1830 ss:$0x81] =	vst.msk $0xffff, v7  }
.Ltmp4:
0x44: {  	_ = 	snop;
	(pc) =	sbr.rel .LBB1_4-.Ltmp4, $1  }
0x45: {  	_ =	sdelay $0x3  }
.LBB1_6:
0x46: {  	_ =	sfence.sel $0x180000  }
0x47: {  	s2 =	simm.s32 $0x1;
	[bflag:$0x0] =	sbarrier.arrive $0xFFFF  }
0x48: {  	s31 =	simm.s32 $0x2;
	[sflag:s2] =	ssyncpa.u1 $0x1  }
0x49: {  	[sflag:s31] =	ssyncpa.u1 $0x1  }
0x4a: {  	p0 =	sne.s32 s0, $0x0;
	_ =	strace $0x9000004A  }
0x4b: {  	s0 =	sadd.s32 @!p0 $0x100000, s1;
	[bflag:$0x2] =	sbarrier.arrive $0xFFFF  }
0x4c: {  	[sflag:s0] =	ssyncadd.tile.s32 @!p0 $0x1;
	_ =	shalt  }
.Lfunc_end1:
_tile_overlayer_lowered:
.L_overlay_start_2:
0x4d: {  	(tag) =	ssettag $0x2  }
0x4e: {  	s0 =	rddreg [dreg:$0x0];
	s2 =	stileid.u32  }
0x4f: {  	s1 =	rddreg [dreg:$0x1];
	p0 =	sne.s32 s2, $0x0  }
0x50: {  	s3 =	rddreg [dreg:$0x2];
	[bflag:$0x3] =	sbarrier.arrive $0xFFFF;
	s2 =	simm.s32 @!p0 $0x1C01  }
0x51: {  	[timem:s3], [sflag:s2] =	dma.local @!p0 [hbm:s0], s1  }
0x52: {  	s0 =	simm.s32 @!p0 $0x1  }
0x53: {  	_ =	swait.ge @!p0 [sflag:s0], s1  }
0x54: {  	s1 =	ssub.s32 @!p0 $0x0, s1;
	[sflag:s0] =	ssyncset.done @!p0 $0x0  }
0x55: {  	[sflag:s0] =	ssyncadd.s32 @!p0 s1  }
0x56: {  	[bflag:$0x3] =	sbarrier.arrive $0xFFFF  }
0x57: {  	_ =	shalt  }

// kernel: sparse-core-data-format-call.3.cloned.1.call-start
scs
called_computation.4_lowered:
.L_overlay_start_0:
0x0: {  	s2 =	sld [smem:$0x3FD9]  }
0x1: {  	s3 =	sld [smem:$0x3FFE];
	_ =	sdelay $0x1  }
0x2: {  	s1 =	srdreg.scid  }
0x3: {  	s0 =	sand.u32 $0x1, s1  }
0x4: {  	s18 =	sshll.u32 s0, $0xA;
	s2 =	sadd.s32 s3, s2  }
0x5: {  	s2 =	sadd.s32 s2, s18  }
0x6: {  	[smem:$0x3FC5] =	sst s2  }
0x7: {  	_ = 	snop  }
0x8: {  	s2 =	sld [smem:$0x3FD0];
	(tm) =	ssettm $0x1  }
0x9: {  	s19 =	sld [smem:$0x3FFB];
	_ =	sdelay $0x3  }
0xa: {  	_ =	strace s19  }
0xb: {  	s3 =	sld [smem:$0x3FFC];
	_ =	sdelay $0x3  }
0xc: {  	_ =	strace s3  }
0xd: {  	s3 =	sld [smem:$0x3FFD];
	_ =	sdelay $0x3  }
0xe: {  	_ =	strace s3  }
0xf: {  	_ =	strace $0x8FFFFFFF  }
0x10: {  	s20 =	sld [smem:$0x3FDB];
	_ =	sdelay $0x1  }
0x11: {  	s4 =	simm.s32 $_scs_section_size  }
0x12: {  	s5 =	simm.s32 $_size__tile_overlayer_lowered;
	s6 =	simm.s32 $_tile_overlayer_lowered  }
0x13: {  	s23 =	simm.s32 $0x1BFF;
	s22 =	sshll.u32 s6, $0x1;
	s3 =	sadd.s32 s4, s20  }
0x14: {  	s7 =	simm.s32 $0x0;
	s21 =	sshll.u32 s5, $0x1;
	s5 =	sadd.s32 s22, s3  }
0x15: {  	[timem:s7], [sflag:s23] =	dma.local [hbm:s5], s21  }
0x16: {  	_ =	swait.ge [sflag:s23], s21  }
0x17: {  	s4 =	ssub.s32 $0x0, s21;
	[sflag:s23] =	ssyncset.done $0x0  }
0x18: {  	[sflag:s23] =	ssyncadd.s32 s4;
	_ =	sdelay $0x1  }
0x19: {  	s24 =	simm.s32 $0x1B8B  }
0x1a: {  	_ =	swait.ge [sflag:s24], $0x1  }
0x1b: {  	[sflag:s24] =	ssyncset.done $0x0  }
0x1c: {  	s26 =	simm.s32 $0x1B8E;
	s25 =	sld [smem:$0x3FFE];
	[sflag:s24] =	ssyncadd.s32 $0xFFFFFFFF  }
0x1d: {  	s27 =	simm.s32 $execute0_lowered;
	[smem:$0x3FD2] =	sst s26  }
0x1e: {  	s5 =	sshll.u32 s27, $0x1;
	_ =	strace $0x80000046;
	[dreg:$0x1] =	wrdreg $0xFFFFFFFF  }
0x1f: {  	s28 =	simm.s32 $_size_execute0_lowered;
	s3 =	sadd.s32 s3, s5;
	[dreg:$0x0] =	wrdreg $0x0  }
0x20: {  	s5 =	sshll.u32 s28, $0x1;
	[dreg:$0x2] =	wrdreg s3  }
0x21: {  	[dreg:$0x3] =	wrdreg s5  }
0x22: {  	[dreg:$0x4] =	wrdreg $0xC0  }
0x23: {  	_ =	task [dreg:s7], $0x5FFFF  }
0x24: {  	[dreg:$0x1] =	wrdreg $0xFFFFFFFF  }
0x25: {  	[dreg:$0x0] =	wrdreg $0x60  }
0x26: {  	[dreg:$0x2] =	wrdreg s2  }
0x27: {  	[dreg:$0x3] =	wrdreg s25  }
0x28: {  	[dreg:$0x4] =	wrdreg $0x9  }
0x29: {  	_ =	task.clear_ibuf [dreg:s7], $0x5FFFF;
	_ =	strace $0x90000046  }
0x2a: {  	s29 =	simm.s32 $0x9;
	_ =	strace $0x80000048  }
0x2b: {  	_ =	swait.ge [sflag:s29], $0x1  }
0x2c: {  	[sflag:s29] =	ssyncadd.s32 $0xFFFFFFFF  }
0x2d: {  	_ =	strace $0x90000048  }
0x2e: {  	_ =	sfence  }
0x2f: {  	s30 =	sld [smem:$0x0];
	_ =	sdelay $0x2  }
0x30: {  	s31 =	sshll.u32 s1, $0xD;
	s1 =	sshrl.u32 s1, $0x2  }
0x31: {  	s3 =	sand.u32 $0x4000, s31;
	s1 =	sadd.s32 s1, s30  }
0x32: {  	s0 =	sor.u32 s3, s0;
	s1 =	sshll.u32 s1, $0x11  }
0x33: {  	s0 =	sor.u32 s1, s0  }
0x34: {  	s0 =	sadd.s32 $0x8F2B, s0  }
0x35: {  	[sflag:s0] =	ssyncadd.remote.s32 $0x1  }
0x36: {  	_ =	sfence.sel $0xFFFF  }
0x37: {  	[dreg:$0x0] =	wrdreg $0xFFFFFFFF;
	(pc) =	sbr.abs _section_cstart, $3  }
0x38: {  	[dreg:$0x1] =	wrdreg $0xFFFFFFFF  }
0x39: {  	_ =	task.clear_ibuf [dreg:s7], $0x2FFFF;
	_ =	strace $0x9FFFFFFF  }
0x3a: {  	(tm) =	ssettm $0x7FFFFFFF  }
0x3b: {  	_ =	shalt  }
tec
execute0_lowered:
.L_overlay_start_1:
0x0: {  	(tag) =	ssettag $0x1  }
0x1: {  	s0 =	srdreg.scid  }
0x2: {  	s1 =	sshll.u32 s0, $0x4  }
0x3: {  	s2 =	rddreg [dreg:$0x0];
	s0 =	stileid.u32;
	s1 =	sand.u32 $0x10, s1  }
0x4: {  	s4 =	rddreg [dreg:$0x1];
	s1 =	sor.u32 s0, s1  }
0x5: {  	s7 =	simm.s32 $0x1;
	s8 =	simm.s32 $0x2;
	s3 =	sshll.u32 s1, $0x7  }
0x6: {  	s11 =	simm.s32 $0x0;
	s10 =	simm.s32 $0x0;
	s6 =	ssub.s32 $0x20000, s3  }
.Ltmp0:
0x7: {  	s1 =	rddreg [dreg:$0x2];
	s5 =	sand.u32 $0xF80, s6;
	(pc) =	sbr.rel .LBB1_1-.Ltmp0, $4  }
0x8: {  	_ =	strace $0x80000047;
	s9 =	smov.u32 s3;
	p0 =	sne.s32 s5, $0x0  }
0x9: {  	s6 =	sshrl.u32 s6, $0xC;
	s5 =	simm.s32 $0x1;
	s7 =	simm.s32 @!p0 $0x0  }
0xa: {  	[sflag:s5] =	ssyncpa.u1 $0x0;
	p0 =	por $0x0, $0x0;
	s6 =	sadd.s32 s7, s6  }
0xb: {  	[sflag:s8] =	ssyncpa.u1 $0x0;
	s8 =	simm.s32 $0x100000;
	s7 =	sadd.s32 $0x1, s6  }
.LBB1_4:
0xc: {  	v5 =	vld [tilespmem:s15+$0xFFFFFFD0];
	[tilespmem:s14+$0x2040 ss:$0x81] =	vst.msk $0xffff, v1  }
0xd: {  	v58 =	vld [tilespmem:s15+$0xFFFFFFE0];
	[tilespmem:s14+$0x2850 ss:$0x81] =	vst.msk $0xffff, v2  }
0xe: {  	s16 =	sshra.s32 s16, $0x2;
	v59 =	vld [tilespmem:s15+$0xFFFFFFF0];
	[tilespmem:s14+$0x3060 ss:$0x81] =	vst.msk $0xffff, v3  }
0xf: {  	v60 =	vld [tilespmem:s15+$0x0];
	[tilespmem:s14+$0x0 ss:$0x81] =	vst.msk $0xffff, v0;
	s13 =	sadd.s32 s16, s13  }
0x10: {  	v61 =	vld [tilespmem:s15+$0x10];
	[tilespmem:s13+$0x3870 ss:$0x81] =	vst.msk $0xffff, v4  }
0x11: {  	v62 =	vld [tilespmem:s15+$0x20];
	[tilespmem:s13+$0x810 ss:$0x81] =	vst.msk $0xffff, v5  }
0x12: {  	v63 =	vld [tilespmem:s15+$0xFFFFFFC0];
	[tilespmem:s13+$0x1020 ss:$0x81] =	vst.msk $0xffff, v58  }
0x13: {  	s27 =	sshll.u32 s11, $0x3;
	[tilespmem:s13+$0x1830 ss:$0x81] =	vst.msk $0xffff, v59  }
0x14: {  	s28 =	sand.u32 $0x78, s11;
	s14 =	sand.u32 $0x1FC00, s27;
	[tilespmem:s13+$0x2040 ss:$0x81] =	vst.msk $0xffff, v60  }
0x15: {  	s29 =	sand.u32 $0x1FC000, s11;
	s30 =	sand.u32 $0x7, s11;
	s14 =	sor.u32 s28, s14;
	[tilespmem:s13+$0x2850 ss:$0x81] =	vst.msk $0xffff, v61  }
0x16: {  	s15 =	sadd.s32 s4, s29;
	s11 =	sshll.u32 s30, $0x12;
	s14 =	sshrl.u32 s14, $0x3;
	[tilespmem:s13+$0x3060 ss:$0x81] =	vst.msk $0xffff, v62  }
0x17: {  	s11 =	sor.u32 $0x400, s11;
	s31 =	sadd.s32 s14, s15;
	[tilespmem:s13+$0x0 ss:$0x81] =	vst.msk $0xffff, v63  }
0x18: {  	[hbm4b:s31+s11] =	stream.strided.scatter [tilespmem:s12], [sflag:$0x2], $0x4000, s8, s11, $0x20;
	[tilespmem:$0x10100] =	vst v63  }
.LBB1_5:
0x19: {  	s13 =	sadd.s32 $0x1000, s9  }
0x1a: {  	p2 =	sgt.s32 s13, $0x1FFFF  }
0x1b: {  	s13 =	smov.u32 @p2 s3;
	p2 =	sne.s32 s10, s7  }
.Ltmp1:
0x1c: {  	p1 =	slt.u32 s10, $0x2;
	(pc) =	sbr.rel @!p2 .LBB1_6-.Ltmp1, $4  }
0x1d: {  	s12 =	simm.s32 @!p1 $0x2  }
0x1e: {  	s14 =	sadd.s32 $0x1, s10;
	_ =	swait.ge @!p1 [sflag:s12], $0x4000  }
0x1f: {  	s11 =	smov.u32 s9;
	p0 =	por !p0, !p0;
	[sflag:s12] =	ssyncset.done @!p1 $0x0  }
0x20: {  	s10 =	smov.u32 s14;
	s9 =	smov.u32 s13;
	[sflag:s12] =	ssyncadd.s32 @!p1 $0xFFFFC000  }
.LBB1_1:
0x21: {  	p1 =	sge.u32 s10, s6  }
0x22: {  	s12 =	sxor.u32 @!p1 $0xFFFFFFFF, s10;
	s13 =	sshll.u32 @!p1 s9, $0x4  }
0x23: {  	s31 =	sadd.s32 $0xFFFFFFFF, s10;
	s12 =	sshll.u32 @!p1 s12, $0xE;
	s13 =	sand.u32 @!p1 $0x1FFFF0, s13  }
0x24: {  	s14 =	simm.s32 @!p1 $0x0;
	s12 =	sand.u32 @!p1 $0x4000, s12;
	s13 =	sadd.s32 @!p1 s2, s13  }
0x25: {  	[tilespmem:s12], [sflag:$0x1] =	stream.linear.gather @!p1 [hbm4b:s13+s14], $0x4000, $0x38;
	[tilespmem:$0x10100] =	vst v63  }
0x26: {  	p1 =	sge.u32 s31, s6  }
.Ltmp2:
0x27: {  	_ = 	snop;
	(pc) =	sbr.rel @p1 .LBB1_5-.Ltmp2, $1  }
0x28: {  	_ =	sdelay $0x3  }
0x29: {  	s12 =	simm.s32 $0x1  }
0x2a: {  	_ =	swait.ge [sflag:s5], $0x4000;
	s12 =	simm.s32 @!p0 $0x0  }
0x2b: {  	[sflag:s5] =	ssyncset.done $0x0;
	s13 =	sshll.u32 s12, $0xE  }
0x2c: {  	[sflag:s5] =	ssyncadd.s32 $0xFFFFC000;
	s15 =	sor.u32 $0x40, s13  }
0x2d: {  	s12 =	smul.u32 $0x10200, s12;
	v0 =	vld [tilespmem:s15+$0x30]  }
0x2e: {  	v3 =	vld [tilespmem:s15+$0xFFFFFFD0]  }
0x2f: {  	s12 =	sshrl.u32 s12, $0x2;
	v4 =	vld [tilespmem:s15+$0xFFFFFFE0]  }
0x30: {  	v5 =	vld [tilespmem:s15+$0xFFFFFFF0];
	s13 =	sor.u32 $0x8000, s12  }
0x31: {  	s31 =	sand.u32 $0x1, s10;
	v1 =	vld [tilespmem:s15+$0x0];
	s14 =	sadd.s32 $0x0, s13  }
0x32: {  	v2 =	vld [tilespmem:s15+$0x10];
	s12 =	smul.u32 $0x10200, s31;
	[tilespmem:s14+$0x3870 ss:$0x81] =	vst.msk $0xffff, v0  }
0x33: {  	[tilespmem:s14+$0x810 ss:$0x81] =	vst.msk $0xffff, v3;
	v3 =	vld [tilespmem:s15+$0x20]  }
0x34: {  	s12 =	sshrl.u32 s12, $0x2;
	v0 =	vld [tilespmem:s15+$0xFFFFFFC0];
	[tilespmem:s14+$0x1020 ss:$0x81] =	vst.msk $0xffff, v4;
	s15 =	sadd.s32 $0x80, s15  }
0x35: {  	s16 =	simm.s32 $0x4;
	s17 =	simm.s32 $0x8;
	s12 =	sor.u32 $0x8000, s12;
	[tilespmem:s14+$0x1830 ss:$0x81] =	vst.msk $0xffff, v5;
	v4 =	vld [tilespmem:s15+$0x30]  }
.LBB1_3:
0x36: {  	p1 =	sne.s32 s17, $0x1FC;
	v5 =	vld [tilespmem:s15+$0xFFFFFFD0];
	[tilespmem:s14+$0x2040 ss:$0x81] =	vst.msk $0xffff, v1  }
0x37: {  	v6 =	vld [tilespmem:s15+$0xFFFFFFE0];
	[tilespmem:s14+$0x2850 ss:$0x81] =	vst.msk $0xffff, v2  }
0x38: {  	s18 =	sshra.s32 s16, $0x2;
	s16 =	smov.u32 s17;
	v7 =	vld [tilespmem:s15+$0xFFFFFFF0];
	[tilespmem:s14+$0x3060 ss:$0x81] =	vst.msk $0xffff, v3  }
.Ltmp3:
0x39: {  	v1 =	vld [tilespmem:s15+$0x0];
	[tilespmem:s14+$0x0 ss:$0x81] =	vst.msk $0xffff, v0;
	s14 =	sadd.s32 s18, s13;
	(pc) =	sbr.rel @p1 .LBB1_3-.Ltmp3, $4  }
0x3a: {  	v2 =	vld [tilespmem:s15+$0x10];
	[tilespmem:s14+$0x3870 ss:$0x81] =	vst.msk $0xffff, v4  }
0x3b: {  	[tilespmem:s14+$0x810 ss:$0x81] =	vst.msk $0xffff, v5;
	v3 =	vld [tilespmem:s15+$0x20]  }
0x3c: {  	v0 =	vld [tilespmem:s15+$0xFFFFFFC0];
	[tilespmem:s14+$0x1020 ss:$0x81] =	vst.msk $0xffff, v6;
	s15 =	sadd.s32 $0x80, s15  }
0x3d: {  	s17 =	sadd.s32 $0x4, s17;
	v4 =	vld [tilespmem:s15+$0x30];
	[tilespmem:s14+$0x1830 ss:$0x81] =	vst.msk $0xffff, v7  }
.Ltmp4:
0x3e: {  	_ = 	snop;
	(pc) =	sbr.rel .LBB1_4-.Ltmp4, $1  }
0x3f: {  	_ =	sdelay $0x3  }
.LBB1_6:
0x40: {  	_ =	sfence.sel $0x180000  }
0x41: {  	s2 =	simm.s32 $0x1;
	[bflag:$0x0] =	sbarrier.arrive $0xFFFF  }
0x42: {  	s31 =	simm.s32 $0x2;
	[sflag:s2] =	ssyncpa.u1 $0x1  }
0x43: {  	[sflag:s31] =	ssyncpa.u1 $0x1  }
0x44: {  	p0 =	sne.s32 s0, $0x0;
	_ =	strace $0x90000047  }
0x45: {  	s0 =	sadd.s32 @!p0 $0x100000, s1;
	[bflag:$0x2] =	sbarrier.arrive $0xFFFF  }
0x46: {  	[sflag:s0] =	ssyncadd.tile.s32 @!p0 $0x1;
	_ =	shalt  }
.Lfunc_end1:
_tile_overlayer_lowered:
.L_overlay_start_2:
0x47: {  	(tag) =	ssettag $0x2  }
0x48: {  	s0 =	rddreg [dreg:$0x0];
	s2 =	stileid.u32  }
0x49: {  	s1 =	rddreg [dreg:$0x1];
	p0 =	sne.s32 s2, $0x0  }
0x4a: {  	s3 =	rddreg [dreg:$0x2];
	[bflag:$0x3] =	sbarrier.arrive $0xFFFF;
	s2 =	simm.s32 @!p0 $0x1C01  }
0x4b: {  	[timem:s3], [sflag:s2] =	dma.local @!p0 [hbm:s0], s1  }
0x4c: {  	s0 =	simm.s32 @!p0 $0x1  }
0x4d: {  	_ =	swait.ge @!p0 [sflag:s0], s1  }
0x4e: {  	s1 =	ssub.s32 @!p0 $0x0, s1;
	[sflag:s0] =	ssyncset.done @!p0 $0x0  }
0x4f: {  	[sflag:s0] =	ssyncadd.s32 @!p0 s1  }
0x50: {  	[bflag:$0x3] =	sbarrier.arrive $0xFFFF  }
0x51: {  	_ =	shalt  }

// kernel: sparse-core-data-format-call.cloned.1.call-start
scs
called_computation.1_lowered:
.L_overlay_start_0:
0x0: {  	s2 =	sld [smem:$0x3FD9]  }
0x1: {  	s3 =	sld [smem:$0x3FFE];
	_ =	sdelay $0x1  }
0x2: {  	s1 =	srdreg.scid  }
0x3: {  	s0 =	sand.u32 $0x1, s1  }
0x4: {  	s18 =	sshll.u32 s0, $0xA;
	s2 =	sadd.s32 s3, s2  }
0x5: {  	s2 =	sadd.s32 s2, s18  }
0x6: {  	[smem:$0x3FC5] =	sst s2  }
0x7: {  	_ = 	snop  }
0x8: {  	s2 =	sld [smem:$0x3FD0];
	(tm) =	ssettm $0x1  }
0x9: {  	s19 =	sld [smem:$0x3FFB];
	_ =	sdelay $0x3  }
0xa: {  	_ =	strace s19  }
0xb: {  	s3 =	sld [smem:$0x3FFC];
	_ =	sdelay $0x3  }
0xc: {  	_ =	strace s3  }
0xd: {  	s3 =	sld [smem:$0x3FFD];
	_ =	sdelay $0x3  }
0xe: {  	_ =	strace s3  }
0xf: {  	_ =	strace $0x8FFFFFFF  }
0x10: {  	s20 =	sld [smem:$0x3FDB];
	_ =	sdelay $0x1  }
0x11: {  	s4 =	simm.s32 $_scs_section_size  }
0x12: {  	s5 =	simm.s32 $_size__tile_overlayer_lowered;
	s6 =	simm.s32 $_tile_overlayer_lowered  }
0x13: {  	s23 =	simm.s32 $0x1BFF;
	s22 =	sshll.u32 s6, $0x1;
	s3 =	sadd.s32 s4, s20  }
0x14: {  	s7 =	simm.s32 $0x0;
	s21 =	sshll.u32 s5, $0x1;
	s5 =	sadd.s32 s22, s3  }
0x15: {  	[timem:s7], [sflag:s23] =	dma.local [hbm:s5], s21  }
0x16: {  	_ =	swait.ge [sflag:s23], s21  }
0x17: {  	s4 =	ssub.s32 $0x0, s21;
	[sflag:s23] =	ssyncset.done $0x0  }
0x18: {  	[sflag:s23] =	ssyncadd.s32 s4;
	_ =	sdelay $0x1  }
0x19: {  	s24 =	simm.s32 $0x1B8B  }
0x1a: {  	_ =	swait.ge [sflag:s24], $0x1  }
0x1b: {  	[sflag:s24] =	ssyncset.done $0x0  }
0x1c: {  	s26 =	simm.s32 $0x1B8E;
	s25 =	sld [smem:$0x3FFE];
	[sflag:s24] =	ssyncadd.s32 $0xFFFFFFFF  }
0x1d: {  	s27 =	simm.s32 $execute0_lowered;
	[smem:$0x3FD2] =	sst s26  }
0x1e: {  	s5 =	sshll.u32 s27, $0x1;
	_ =	strace $0x80000052;
	[dreg:$0x1] =	wrdreg $0xFFFFFFFF  }
0x1f: {  	s28 =	simm.s32 $_size_execute0_lowered;
	s3 =	sadd.s32 s3, s5;
	[dreg:$0x0] =	wrdreg $0x0  }
0x20: {  	s5 =	sshll.u32 s28, $0x1;
	[dreg:$0x2] =	wrdreg s3  }
0x21: {  	[dreg:$0x3] =	wrdreg s5  }
0x22: {  	[dreg:$0x4] =	wrdreg $0xC0  }
0x23: {  	_ =	task [dreg:s7], $0x5FFFF  }
0x24: {  	[dreg:$0x1] =	wrdreg $0xFFFFFFFF  }
0x25: {  	[dreg:$0x0] =	wrdreg $0x60  }
0x26: {  	[dreg:$0x2] =	wrdreg s2  }
0x27: {  	[dreg:$0x3] =	wrdreg s25  }
0x28: {  	[dreg:$0x4] =	wrdreg $0x9  }
0x29: {  	_ =	task.clear_ibuf [dreg:s7], $0x5FFFF;
	_ =	strace $0x90000052  }
0x2a: {  	s29 =	simm.s32 $0x9;
	_ =	strace $0x80000054  }
0x2b: {  	_ =	swait.ge [sflag:s29], $0x1  }
0x2c: {  	[sflag:s29] =	ssyncadd.s32 $0xFFFFFFFF  }
0x2d: {  	_ =	strace $0x90000054  }
0x2e: {  	_ =	sfence  }
0x2f: {  	s30 =	sld [smem:$0x0];
	_ =	sdelay $0x2  }
0x30: {  	s31 =	sshll.u32 s1, $0xD;
	s1 =	sshrl.u32 s1, $0x2  }
0x31: {  	s3 =	sand.u32 $0x4000, s31;
	s1 =	sadd.s32 s1, s30  }
0x32: {  	s0 =	sor.u32 s3, s0;
	s1 =	sshll.u32 s1, $0x11  }
0x33: {  	s0 =	sor.u32 s1, s0  }
0x34: {  	s0 =	sadd.s32 $0x8F2B, s0  }
0x35: {  	[sflag:s0] =	ssyncadd.remote.s32 $0x1  }
0x36: {  	_ =	sfence.sel $0xFFFF  }
0x37: {  	[dreg:$0x0] =	wrdreg $0xFFFFFFFF;
	(pc) =	sbr.abs _section_cstart, $3  }
0x38: {  	[dreg:$0x1] =	wrdreg $0xFFFFFFFF  }
0x39: {  	_ =	task.clear_ibuf [dreg:s7], $0x2FFFF;
	_ =	strace $0x9FFFFFFF  }
0x3a: {  	(tm) =	ssettm $0x7FFFFFFF  }
0x3b: {  	_ =	shalt  }
tec
execute0_lowered:
.L_overlay_start_1:
0x0: {  	(tag) =	ssettag $0x1  }
0x1: {  	s2 =	rddreg [dreg:$0x0]  }
0x2: {  	s3 =	rddreg [dreg:$0x1]  }
0x3: {  	s0 =	rddreg [dreg:$0x2];
	s1 =	srdreg.scid;
	_ =	strace $0x80000053  }
0x4: {  	s6 =	simm.s32 $0x2;
	s12 =	simm.s32 $0x0;
	p0 =	por $0x0, $0x0  }
.Ltmp0:
0x5: {  	s11 =	simm.s32 $0x0;
	s4 =	sshll.u32 s1, $0x4;
	(pc) =	sbr.rel .LBB1_1-.Ltmp0, $4  }
0x6: {  	s7 =	simm.s32 $0x0;
	s1 =	stileid.u32;
	s5 =	sand.u32 $0x10, s4  }
0x7: {  	s8 =	simm.s32 $0x0;
	s4 =	simm.s32 $0x1;
	s5 =	sor.u32 s1, s5  }
0x8: {  	s10 =	simm.s32 $0x0;
	[sflag:s4] =	ssyncpa.u1 $0x0;
	s5 =	sshll.u32 s5, $0x7  }
0x9: {  	[sflag:s6] =	ssyncpa.u1 $0x0;
	s6 =	simm.s32 $0x0;
	s9 =	smov.u32 s5  }
.LBB1_5:
0xa: {  	p1 =	slt.u32 s6, $0x2  }
0xb: {  	p2 =	sgt.s32 @!p1 s12, $0xFF70  }
0xc: {  	s13 =	smov.u32 s12;
	s14 =	sshra.s32 @!p1 s12, $0x1F;
	p2 =	por !p2, p1  }
0xd: {  	s12 =	sand.u32 @!p1 s14, s12;
	s13 =	simm.s32 @p2 $0xFF70  }
0xe: {  	s12 =	ssub.s32 @!p1 s13, s12;
	s13 =	ssub.s32 @!p1 $0x0, s11  }
0xf: {  	s15 =	smov.u32 s10;
	s14 =	sadd.s32 @!p1 $0xFFFF0090, s12;
	s11 =	smin.u32 @!p1 s11, s13  }
0x10: {  	s12 =	ssub.s32 @!p1 $0xFFF0, s12;
	p2 =	sgt.s32 @!p1 s14, $0x7F;
	p3 =	sgt.s32 @!p1 s11, $0x7F  }
0x11: {  	s11 =	ssub.s32 @!p1 $0x80, s11;
	p2 =	por !p2, p1;
	p3 =	por !p3, p1  }
0x12: {  	s13 =	sadd.s32 $0x1000, s9;
	s12 =	simm.s32 @!p2 $0x0;
	s11 =	simm.s32 @!p3 $0x0  }
0x13: {  	p2 =	sgt.s32 s13, $0xFFEF;
	s11 =	smul.u32 @!p1 s11, s12;
	s12 =	sadd.s32 $0x80, s10  }
0x14: {  	s15 =	smov.u32 @p2 s12  }
0x15: {  	s6 =	sadd.s32 $0x1, s6;
	s13 =	smov.u32 @p2 s5;
	p2 =	sgt.s32 s15, $0x7F  }
0x16: {  	s15 =	simm.s32 @p2 $0x0;
	p2 =	sne.s32 s6, $0x12  }
.Ltmp1:
0x17: {  	p0 =	por !p0, !p0;
	(pc) =	sbr.rel @!p2 .LBB1_6-.Ltmp1, $4  }
0x18: {  	s14 =	simm.s32 @!p1 $0x2;
	s12 =	smov.u32 s7;
	s11 =	sand.u32 @!p1 $0x3FFFFFFF, s11  }
0x19: {  	s7 =	smov.u32 s9;
	s9 =	smov.u32 s13;
	_ =	swait.ge @!p1 [sflag:s14], s11  }
0x1a: {  	s16 =	ssub.s32 @!p1 $0x0, s11;
	s11 =	smov.u32 s8;
	[sflag:s14] =	ssyncset.done @!p1 $0x0  }
0x1b: {  	s8 =	smov.u32 s10;
	s10 =	smov.u32 s15;
	[sflag:s14] =	ssyncadd.s32 @!p1 s16  }
.LBB1_1:
0x1c: {  	p1 =	sgt.u32 s6, $0xF  }
0x1d: {  	s13 =	sand.u32 @!p1 $0x78, s9;
	s14 =	sshll.u32 @!p1 s10, $0x10;
	s15 =	sshll.u32 @!p1 s10, $0x7  }
0x1e: {  	s16 =	sshll.u32 @!p1 s9, $0x3;
	s14 =	sand.u32 @!p1 $0x780000, s14;
	s15 =	sand.u32 @!p1 $0x380, s15  }
0x1f: {  	s14 =	sadd.s32 @!p1 s14, s16;
	s16 =	sand.u32 @!p1 $0xFC00, s16;
	s13 =	sor.u32 @!p1 s15, s13  }
0x20: {  	s15 =	sxor.u32 @!p1 $0xFFFFFFFF, s6;
	s14 =	sand.u32 @!p1 $0x7F0000, s14;
	s13 =	sor.u32 @!p1 s16, s13  }
0x21: {  	s15 =	sshll.u32 @!p1 s15, $0xE;
	s13 =	sor.u32 @!p1 s14, s13;
	s14 =	sand.u32 @!p1 $0x7, s9  }
0x22: {  	s16 =	simm.s32 @!p1 $0x80000;
	s13 =	sshrl.u32 @!p1 s13, $0x3;
	s14 =	sshll.u32 @!p1 s14, $0x12  }
0x23: {  	s15 =	sand.u32 @!p1 $0x4000, s15;
	s13 =	sadd.s32 @!p1 s2, s13;
	s14 =	sor.u32 @!p1 $0x400, s14  }
0x24: {  	[tilespmem:s15], [sflag:$0x1] =	stream.strided.gather @!p1 [hbm4b:s13+s14], $0x4000, s16, s14, $0x38;
	[tilespmem:$0x10100] =	vst v63  }
0x25: {  	p1 =	seq.s32 s6, $0x0  }
0x26: {  	p2 =	seq.s32 @!p1 s6, $0x11  }
0x27: {  	p1 =	por p1, p2  }
.Ltmp2:
0x28: {  	_ = 	snop;
	(pc) =	sbr.rel @p1 .LBB1_5-.Ltmp2, $1  }
0x29: {  	_ =	sdelay $0x3  }
0x2a: {  	s13 =	simm.s32 $0x1  }
0x2b: {  	_ =	swait.ge [sflag:s4], $0x4000;
	s13 =	simm.s32 @!p0 $0x0  }
0x2c: {  	[sflag:s4] =	ssyncset.done $0x0;
	s14 =	sshll.u32 s13, $0xE  }
0x2d: {  	[sflag:s4] =	ssyncadd.s32 $0xFFFFC000;
	s14 =	sor.u32 $0x40, s14  }
0x2e: {  	s13 =	smul.u32 $0x10200, s13;
	v0 =	vld [tilespmem:s14+$0x30]  }
0x2f: {  	v1 =	vld [tilespmem:s14+$0xFFFFFFD0]  }
0x30: {  	s13 =	sshrl.u32 s13, $0x2;
	v5 =	vld [tilespmem:s14+$0xFFFFFFE0]  }
0x31: {  	v6 =	vld [tilespmem:s14+$0xFFFFFFF0];
	s16 =	sor.u32 $0x8000, s13  }
0x32: {  	s31 =	sand.u32 $0x1, s6;
	v4 =	vld [tilespmem:s14+$0x0];
	s15 =	sadd.s32 $0x0, s16  }
0x33: {  	v3 =	vld [tilespmem:s14+$0x10];
	s13 =	smul.u32 $0x10200, s31;
	[tilespmem:s15+$0x3870 ss:$0x81] =	vst.msk $0xffff, v0  }
0x34: {  	v2 =	vld [tilespmem:s14+$0x20];
	[tilespmem:s15+$0x810 ss:$0x81] =	vst.msk $0xffff, v1  }
0x35: {  	s13 =	sshrl.u32 s13, $0x2;
	v0 =	vld [tilespmem:s14+$0xFFFFFFC0];
	[tilespmem:s15+$0x1020 ss:$0x81] =	vst.msk $0xffff, v5;
	s14 =	sadd.s32 $0x80, s14  }
0x36: {  	s17 =	simm.s32 $0x4;
	s18 =	simm.s32 $0x8;
	s13 =	sor.u32 $0x8000, s13;
	[tilespmem:s15+$0x1830 ss:$0x81] =	vst.msk $0xffff, v6;
	v1 =	vld [tilespmem:s14+$0x30]  }
.LBB1_3:
0x37: {  	p1 =	sne.s32 s18, $0x1FC;
	v5 =	vld [tilespmem:s14+$0xFFFFFFD0];
	[tilespmem:s15+$0x2040 ss:$0x81] =	vst.msk $0xffff, v4  }
0x38: {  	v6 =	vld [tilespmem:s14+$0xFFFFFFE0];
	[tilespmem:s15+$0x2850 ss:$0x81] =	vst.msk $0xffff, v3  }
0x39: {  	s19 =	sshra.s32 s17, $0x2;
	s17 =	smov.u32 s18;
	v7 =	vld [tilespmem:s14+$0xFFFFFFF0];
	[tilespmem:s15+$0x3060 ss:$0x81] =	vst.msk $0xffff, v2  }
.Ltmp3:
0x3a: {  	v4 =	vld [tilespmem:s14+$0x0];
	[tilespmem:s15+$0x0 ss:$0x81] =	vst.msk $0xffff, v0;
	s15 =	sadd.s32 s19, s16;
	(pc) =	sbr.rel @p1 .LBB1_3-.Ltmp3, $4  }
0x3b: {  	v3 =	vld [tilespmem:s14+$0x10];
	[tilespmem:s15+$0x3870 ss:$0x81] =	vst.msk $0xffff, v1  }
0x3c: {  	[tilespmem:s15+$0x810 ss:$0x81] =	vst.msk $0xffff, v5;
	v2 =	vld [tilespmem:s14+$0x20]  }
0x3d: {  	v0 =	vld [tilespmem:s14+$0xFFFFFFC0];
	[tilespmem:s15+$0x1020 ss:$0x81] =	vst.msk $0xffff, v6;
	s14 =	sadd.s32 $0x80, s14  }
0x3e: {  	s18 =	sadd.s32 $0x4, s18;
	v1 =	vld [tilespmem:s14+$0x30];
	[tilespmem:s15+$0x1830 ss:$0x81] =	vst.msk $0xffff, v7  }
0x3f: {  	s18 =	sshll.u32 s7, $0x7;
	s19 =	sshll.u32 s8, $0x3;
	s17 =	sshra.s32 s17, $0x2  }
0x40: {  	v5 =	vld [tilespmem:s14+$0xFFFFFFD0];
	[tilespmem:s15+$0x2040 ss:$0x81] =	vst.msk $0xffff, v4;
	p1 =	sgt.s32 s7, $0xFF70;
	s20 =	sand.u32 $0xFFFFFC00, s18;
	s19 =	sand.u32 $0xFFFFFC00, s19  }
0x41: {  	v58 =	vld [tilespmem:s14+$0xFFFFFFE0];
	s24 =	sshra.s32 s7, $0x1F;
	s18 =	sand.u32 $0x380, s18;
	[tilespmem:s15+$0x2850 ss:$0x81] =	vst.msk $0xffff, v3;
	s19 =	sadd.s32 s19, s20  }
0x42: {  	v59 =	vld [tilespmem:s14+$0xFFFFFFF0];
	s26 =	ssub.s32 $0x0, s8;
	s16 =	sadd.s32 s17, s16;
	[tilespmem:s15+$0x3060 ss:$0x81] =	vst.msk $0xffff, v2;
	s23 =	sor.u32 s18, s19  }
0x43: {  	v60 =	vld [tilespmem:s14+$0x0];
	s28 =	smin.u32 s8, s26;
	s18 =	smov.u32 s7;
	[tilespmem:s15+$0x0 ss:$0x81] =	vst.msk $0xffff, v0;
	s17 =	sshrl.u32 s23, $0x7  }
0x44: {  	v61 =	vld [tilespmem:s14+$0x10];
	s19 =	sand.u32 s24, s7;
	s18 =	simm.s32 @!p1 $0xFF70;
	[tilespmem:s16+$0x3870 ss:$0x81] =	vst.msk $0xffff, v1;
	s25 =	smulhi.u32 $0x2002003, s17  }
0x45: {  	v62 =	vld [tilespmem:s14+$0x20];
	s29 =	sshrl.u32 s8, $0x3;
	p2 =	sgt.s32 s28, $0x7F;
	s18 =	ssub.s32 s18, s19;
	[tilespmem:s16+$0x810 ss:$0x81] =	vst.msk $0xffff, v5  }
0x46: {  	v63 =	vld [tilespmem:s14+$0xFFFFFFC0];
	[tilespmem:s16+$0x1020 ss:$0x81] =	vst.msk $0xffff, v58;
	s19 =	sadd.s32 $0xFFFF0090, s18;
	s18 =	ssub.s32 $0xFFF0, s18;
	s15 =	sshrl.u32 s25, $0x9  }
0x47: {  	[tilespmem:s16+$0x1830 ss:$0x81] =	vst.msk $0xffff, v59;
	p1 =	sgt.s32 s19, $0x7F;
	s27 =	smul.u32 $0xFFF0, s15;
	s15 =	ssub.s32 $0x80, s28  }
.Ltmp4:
0x48: {  	[tilespmem:s16+$0x2040 ss:$0x81] =	vst.msk $0xffff, v60;
	s18 =	simm.s32 @p1 $0x0;
	s15 =	simm.s32 @p2 $0x0;
	(pc) =	sbr.rel .LBB1_5-.Ltmp4, $4  }
0x49: {  	s30 =	sand.u32 $0xF, s29;
	[tilespmem:s16+$0x2850 ss:$0x81] =	vst.msk $0xffff, v61;
	s14 =	ssub.s32 s17, s27;
	s15 =	smul.u32 s15, s18  }
0x4a: {  	[tilespmem:s16+$0x3060 ss:$0x81] =	vst.msk $0xffff, v62;
	s17 =	sadd.s32 s3, s30;
	s14 =	sshll.u32 s14, $0x4  }
0x4b: {  	s31 =	sand.u32 $0x7, s8;
	[tilespmem:s16+$0x0 ss:$0x81] =	vst.msk $0xffff, v63;
	s15 =	sand.u32 $0x3FFFFFFF, s15;
	s14 =	sadd.s32 s14, s17  }
0x4c: {  	[hbm4b:s14+s31] =	stream.linear.scatter [tilespmem:s13], [sflag:$0x2], s15, $0x20;
	[tilespmem:$0x10100] =	vst v63  }
.LBB1_6:
0x4d: {  	_ =	sfence.sel $0x180000  }
0x4e: {  	s2 =	simm.s32 $0x1;
	[bflag:$0x0] =	sbarrier.arrive $0xFFFF  }
0x4f: {  	s31 =	simm.s32 $0x2;
	[sflag:s2] =	ssyncpa.u1 $0x1  }
0x50: {  	[sflag:s31] =	ssyncpa.u1 $0x1  }
0x51: {  	p0 =	sne.s32 s1, $0x0;
	_ =	strace $0x90000053  }
0x52: {  	s0 =	sadd.s32 @!p0 $0x100000, s0;
	[bflag:$0x2] =	sbarrier.arrive $0xFFFF  }
0x53: {  	[sflag:s0] =	ssyncadd.tile.s32 @!p0 $0x1;
	_ =	shalt  }
.Lfunc_end1:
_tile_overlayer_lowered:
.L_overlay_start_2:
0x54: {  	(tag) =	ssettag $0x2  }
0x55: {  	s0 =	rddreg [dreg:$0x0];
	s2 =	stileid.u32  }
0x56: {  	s1 =	rddreg [dreg:$0x1];
	p0 =	sne.s32 s2, $0x0  }
0x57: {  	s3 =	rddreg [dreg:$0x2];
	[bflag:$0x3] =	sbarrier.arrive $0xFFFF;
	s2 =	simm.s32 @!p0 $0x1C01  }
0x58: {  	[timem:s3], [sflag:s2] =	dma.local @!p0 [hbm:s0], s1  }
0x59: {  	s0 =	simm.s32 @!p0 $0x1  }
0x5a: {  	_ =	swait.ge @!p0 [sflag:s0], s1  }
0x5b: {  	s1 =	ssub.s32 @!p0 $0x0, s1;
	[sflag:s0] =	ssyncset.done @!p0 $0x0  }
0x5c: {  	[sflag:s0] =	ssyncadd.s32 @!p0 s1  }
0x5d: {  	[bflag:$0x3] =	sbarrier.arrive $0xFFFF  }
0x5e: {  	_ =	shalt  }

</sc_bundles>
